<compile_context>
chip_gen: v7x
topology: tpu7x:2x2x1
jax: 0.10.2.dev20260603
libtpu: 0.0.44.dev20260713+nightly
codegen_flags: <defaults>
</compile_context>

<pallas_src>
import functools

import jax
import jax.numpy as jnp
from jax import lax
from jax.experimental import pallas as pl
from jax.experimental.pallas import tpu as pltpu
from jax.experimental.pallas import tpu_sc as plsc

EMBED_DIM = 128
TABLE_ROWS = 1000
BATCH = 16384

NUM_CORES = 2
NUM_SUBCORES = 16
LANES = 16
NUM_WORKERS = NUM_CORES * NUM_SUBCORES
B_PER_W = BATCH // NUM_WORKERS


NCHUNK = 4
CHUNK = B_PER_W // NCHUNK


def _gather_body(t_hbm, embed_hbm, out_hbm, idx_v, rows_v, spm,
                 gsem0, gsem1, ssem0, ssem1):
    sid = lax.axis_index("s")
    wid = sid * NUM_CORES + lax.axis_index("c")
    base = wid * B_PER_W
    gsems = (gsem0, gsem1)
    ssems = (ssem0, ssem1)

    pltpu.sync_copy(t_hbm.at[pl.ds(base, B_PER_W)], idx_v)

    def adjust_chunk(c):
        def adjust(i, carry):
            sl = pl.ds(c * CHUNK + i * LANES, LANES)
            v = idx_v[sl] - 1
            idx_v[sl] = jnp.where(v < 0, v + TABLE_ROWS, v)
            return carry

        lax.fori_loop(0, CHUNK // LANES, adjust, 0)

    def gather(c, b, src_ref):
        return pltpu.async_copy(
            src_ref.at[idx_v.at[pl.ds(c * CHUNK, CHUNK)]], rows_v.at[b],
            gsems[b % 2])

    def scatter(c, b):
        return pltpu.async_copy(
            rows_v.at[b], out_hbm.at[pl.ds(base + c * CHUNK, CHUNK)],
            ssems[b % 2])

    @pl.when(sid < 7)
    def _():
        pltpu.sync_copy(embed_hbm.at[pl.ds(sid * 128, 128)],
                        spm.at[pl.ds(sid * 128, 128)])

    @pl.when(sid == 7)
    def _():
        pltpu.sync_copy(embed_hbm.at[pl.ds(896, 104)],
                        spm.at[pl.ds(896, 104)])

    for c in range(NCHUNK):
        adjust_chunk(c)

    plsc.subcore_barrier()

    gs = [gather(c, c, spm) for c in range(NCHUNK)]
    ss = []
    for c in range(NCHUNK):
        gs[c].wait()
        ss.append(scatter(c, c))
    for s in ss:
        s.wait()

@jax.jit
def kernel(t, embed):
    run = pl.kernel(
        _gather_body,
        mesh=plsc.VectorSubcoreMesh(core_axis_name="c", subcore_axis_name="s"),
        out_type=jax.ShapeDtypeStruct((BATCH, EMBED_DIM), jnp.float32),
        scratch_types=[
            pltpu.VMEM((B_PER_W,), jnp.int32),
            pltpu.VMEM((NCHUNK, CHUNK, EMBED_DIM), jnp.float32),
            pltpu.VMEM_SHARED((TABLE_ROWS, EMBED_DIM), jnp.float32),
            pltpu.SemaphoreType.DMA,
            pltpu.SemaphoreType.DMA,
            pltpu.SemaphoreType.DMA,
            pltpu.SemaphoreType.DMA,
        ],
    )
    return run(t.astype(jnp.int32), embed.astype(jnp.float32))

# --- scband reference (transcript-rebuilt; emitter-appended) ---
"""Pipeline reference for scband-time-embed-7035156431204 (READ-ONLY COPY).

The authoritative reference and input builder live on the scoring server;
editing this copy changes nothing except your own understanding.
"""

import jax, jax.numpy as jnp
import numpy as np

EMBED_DIM = 128
MAX_TRAIN_STEPS = 1000
BATCH = 16384


def get_sinusoidal(embed_dim, max_train_steps):
    timesteps = jnp.arange(max_train_steps)
    half_dim = embed_dim // 2
    emb_scale = np.log(10000) / (half_dim - 1)
    emb = jnp.exp(jnp.arange(half_dim, dtype=jnp.float32) * -emb_scale)
    emb = timesteps.astype(jnp.float32)[:, None] * emb[None, :]
    emb = jnp.concatenate([jnp.sin(emb), jnp.cos(emb)], axis=1)
    if embed_dim % 2 == 1:
        emb = jnp.pad(emb, ((0, 0), (0, 1)))
    return emb


def setup_inputs(seed: int = 0) -> dict:
    key = jax.random.key(seed)
    k_t, = jax.random.split(key, 1)
    t = jax.random.randint(k_t, (BATCH,), 0, 1000, dtype=jnp.int64 if jax.config.jax_enable_x64 else jnp.int32).astype(jnp.int32)
    embed = get_sinusoidal(EMBED_DIM, MAX_TRAIN_STEPS)
    return {"t": t, "embed": embed}


def reference(t, embed):
    # Faithful translation of TimeEmbed.forward for tensor input:
    #   return self.embed[t.long() - 1]
    idx = t.astype(jnp.int32) - 1
    return embed[idx]

if __name__ == "__main__":
    import jax
    _d = setup_inputs()
    print(jax.jit(kernel)(*tuple(_d.values())))

</pallas_src>

<mosaic_0001>
#map = affine_map<(d0, d1) -> (0)>
#map1 = affine_map<(d0, d1) -> (0, 0)>
module attributes {stable_mosaic.version = 14 : i64} {
  func.func @_gather_body(%arg0: i32, %arg1: i32, %arg2: memref<16384xi32, #tpu.memory_space<hbm>>, %arg3: memref<1000x128xf32, #tpu.memory_space<hbm>>, %arg4: memref<16384x128xf32, #tpu.memory_space<hbm>>, %arg5: memref<512xi32, #tpu.memory_space<vmem>>, %arg6: memref<4x128x128xf32, #tpu.memory_space<vmem>>, %arg7: memref<1000x128xf32, #tpu.memory_space<vmem_shared>>, %arg8: memref<!tpu.dma_semaphore, #tpu.memory_space<semaphore_mem>>, %arg9: memref<!tpu.dma_semaphore, #tpu.memory_space<semaphore_mem>>, %arg10: memref<!tpu.dma_semaphore, #tpu.memory_space<semaphore_mem>>, %arg11: memref<!tpu.dma_semaphore, #tpu.memory_space<semaphore_mem>>) attributes {dimension_semantics = [#tpu.dimension_semantics<core_parallel>, #tpu.dimension_semantics<subcore_parallel>], iteration_bounds = array<i64: 2, 16>, scalar_prefetch = 0 : i64, scratch_operands = 7 : i64, tpu.core_type = #tpu.core_type<sc_vector_subcore>, window_params = [{transform_indices = #map}, {transform_indices = #map1}, {transform_indices = #map1}]} {
    %mul3A = arith.constant 2 : i32
    %mul3A_0 = arith.muli %arg1, %mul3A : i32
    %add3A = arith.addi %mul3A_0, %arg0 : i32
    %mul3A_1 = arith.constant 512 : i32
    %mul3A_2 = arith.muli %add3A, %mul3A_1 : i32
    "tpu.region"() ({
      %run_scoped3A = tpu.sem_alloc : memref<!tpu.dma_semaphore, #tpu.memory_space<semaphore_mem>>
      %dma_start3A_222 = tpu.memref_slice %arg2[%mul3A_2] : memref<16384xi32, #tpu.memory_space<hbm>> -> memref<512xi32, #tpu.memory_space<hbm>>
      %dma_start3A_223 = tpu.memref_slice %arg2[%mul3A_2] : memref<16384xi32, #tpu.memory_space<hbm>> -> memref<512xi32, #tpu.memory_space<hbm>>
      tpu.enqueue_dma source(%dma_start3A_223 : memref<512xi32, #tpu.memory_space<hbm>>) target(%arg5 : memref<512xi32, #tpu.memory_space<vmem>>) target_semaphore(%run_scoped3A : memref<!tpu.dma_semaphore, #tpu.memory_space<semaphore_mem>>)
      %dma_wait3A_224 = tpu.memref_slice %arg2[%mul3A_2] : memref<16384xi32, #tpu.memory_space<hbm>> -> memref<512xi32, #tpu.memory_space<hbm>>
      %dma_wait3A_225 = tpu.memref_slice %arg2[%mul3A_2] : memref<16384xi32, #tpu.memory_space<hbm>> -> memref<512xi32, #tpu.memory_space<hbm>>
      tpu.wait_dma2 semaphore(%run_scoped3A : memref<!tpu.dma_semaphore, #tpu.memory_space<semaphore_mem>>) src(%dma_wait3A_225 : memref<512xi32, #tpu.memory_space<hbm>>) dst(%arg5 : memref<512xi32, #tpu.memory_space<vmem>>)
      tpu.yield
    }) : () -> ()
    %lt3A = arith.constant 7 : i32
    %lt3A_3 = arith.cmpi slt, %arg1, %lt3A : i32
    %convert_element_type3A = arith.extui %lt3A_3 : i1 to i32
    %cond3A = arith.constant 0 : i32
    %cond3A_4 = arith.cmpi ne, %convert_element_type3A, %cond3A : i32
    scf.if %cond3A_4 {
      %mul3A_222 = arith.constant 128 : i32
      %mul3A_223 = arith.muli %arg1, %mul3A_222 : i32
      %mul3A_224 = arith.constant 128 : i32
      %mul3A_225 = arith.muli %arg1, %mul3A_224 : i32
      "tpu.region"() ({
        %run_scoped3A = tpu.sem_alloc : memref<!tpu.dma_semaphore, #tpu.memory_space<semaphore_mem>>
        %dma_start3A_226 = arith.constant 0 : i32
        %dma_start3A_227 = tpu.memref_slice %arg7[%mul3A_225, %dma_start3A_226] : memref<1000x128xf32, #tpu.memory_space<vmem_shared>> -> memref<128x128xf32, #tpu.memory_space<vmem_shared>>
        %dma_start3A_228 = arith.constant 0 : i32
        %dma_start3A_229 = tpu.memref_slice %arg3[%mul3A_223, %dma_start3A_228] : memref<1000x128xf32, #tpu.memory_space<hbm>> -> memref<128x128xf32, #tpu.memory_space<hbm>>
        tpu.enqueue_dma source(%dma_start3A_229 : memref<128x128xf32, #tpu.memory_space<hbm>>) target(%dma_start3A_227 : memref<128x128xf32, #tpu.memory_space<vmem_shared>>) target_semaphore(%run_scoped3A : memref<!tpu.dma_semaphore, #tpu.memory_space<semaphore_mem>>)
        %dma_wait3A_230 = arith.constant 0 : i32
        %dma_wait3A_231 = tpu.memref_slice %arg7[%mul3A_225, %dma_wait3A_230] : memref<1000x128xf32, #tpu.memory_space<vmem_shared>> -> memref<128x128xf32, #tpu.memory_space<vmem_shared>>
        %dma_wait3A_232 = arith.constant 0 : i32
        %dma_wait3A_233 = tpu.memref_slice %arg3[%mul3A_223, %dma_wait3A_232] : memref<1000x128xf32, #tpu.memory_space<hbm>> -> memref<128x128xf32, #tpu.memory_space<hbm>>
        tpu.wait_dma2 semaphore(%run_scoped3A : memref<!tpu.dma_semaphore, #tpu.memory_space<semaphore_mem>>) src(%dma_wait3A_233 : memref<128x128xf32, #tpu.memory_space<hbm>>) dst(%dma_wait3A_231 : memref<128x128xf32, #tpu.memory_space<vmem_shared>>)
        tpu.yield
      }) : () -> ()
    } else {
    }
    %eq3A = arith.constant 7 : i32
    %eq3A_5 = arith.cmpi eq, %arg1, %eq3A : i32
    %convert_element_type3A_6 = arith.extui %eq3A_5 : i1 to i32
    %cond3A_7 = arith.constant 0 : i32
    %cond3A_8 = arith.cmpi ne, %convert_element_type3A_6, %cond3A_7 : i32
    scf.if %cond3A_8 {
      "tpu.region"() ({
        %run_scoped3A = tpu.sem_alloc : memref<!tpu.dma_semaphore, #tpu.memory_space<semaphore_mem>>
        %dma_start3A_222 = arith.constant 896 : i32
        %dma_start3A_223 = arith.constant 0 : i32
        %dma_start3A_224 = tpu.memref_slice %arg7[%dma_start3A_222, %dma_start3A_223] : memref<1000x128xf32, #tpu.memory_space<vmem_shared>> -> memref<104x128xf32, #tpu.memory_space<vmem_shared>>
        %dma_start3A_225 = arith.constant 896 : i32
        %dma_start3A_226 = arith.constant 0 : i32
        %dma_start3A_227 = tpu.memref_slice %arg3[%dma_start3A_225, %dma_start3A_226] : memref<1000x128xf32, #tpu.memory_space<hbm>> -> memref<104x128xf32, #tpu.memory_space<hbm>>
        tpu.enqueue_dma source(%dma_start3A_227 : memref<104x128xf32, #tpu.memory_space<hbm>>) target(%dma_start3A_224 : memref<104x128xf32, #tpu.memory_space<vmem_shared>>) target_semaphore(%run_scoped3A : memref<!tpu.dma_semaphore, #tpu.memory_space<semaphore_mem>>)
        %dma_wait3A_228 = arith.constant 896 : i32
        %dma_wait3A_229 = arith.constant 0 : i32
        %dma_wait3A_230 = tpu.memref_slice %arg7[%dma_wait3A_228, %dma_wait3A_229] : memref<1000x128xf32, #tpu.memory_space<vmem_shared>> -> memref<104x128xf32, #tpu.memory_space<vmem_shared>>
        %dma_wait3A_231 = arith.constant 896 : i32
        %dma_wait3A_232 = arith.constant 0 : i32
        %dma_wait3A_233 = tpu.memref_slice %arg3[%dma_wait3A_231, %dma_wait3A_232] : memref<1000x128xf32, #tpu.memory_space<hbm>> -> memref<104x128xf32, #tpu.memory_space<hbm>>
        tpu.wait_dma2 semaphore(%run_scoped3A : memref<!tpu.dma_semaphore, #tpu.memory_space<semaphore_mem>>) src(%dma_wait3A_233 : memref<104x128xf32, #tpu.memory_space<hbm>>) dst(%dma_wait3A_230 : memref<104x128xf32, #tpu.memory_space<vmem_shared>>)
        tpu.yield
      }) : () -> ()
    } else {
    }
    %scan3A = arith.constant 0 : i32
    %scan3A_9 = arith.constant 0 : i32
    %scan3A_10 = arith.constant 8 : i32
    %scan3A_11 = arith.addi %scan3A_9, %scan3A_10 : i32
    %scan3A_12 = arith.constant 1 : i32
    scf.for %scan3A_222 = %scan3A_9 to %scan3A_11 step %scan3A_12  : i32 {
      %mul3A_223 = arith.constant 16 : i32
      %mul3A_224 = arith.muli %scan3A_222, %mul3A_223 : i32
      %add3A_225 = arith.constant 0 : i32
      %add3A_226 = arith.addi %add3A_225, %mul3A_224 : i32
      %get3A = arith.index_cast %add3A_226 : i32 to index
      %get3A_227 = tpu.vector_load %arg5[%get3A] {strides = array<i32>} : memref<512xi32, #tpu.memory_space<vmem>>, vector<16xi32>,
      %get3A_228 = vector.shape_cast %get3A_227 : vector<16xi32> to vector<16xi32>
      %sub3A = arith.constant 1 : i32
      %sub3A_229 = vector.broadcast %sub3A : i32 to vector<16xi32>
      %sub3A_230 = arith.subi %get3A_228, %sub3A_229 : vector<16xi32>
      %lt3A_231 = arith.constant 0 : i32
      %lt3A_232 = vector.broadcast %lt3A_231 : i32 to vector<16xi32>
      %lt3A_233 = arith.cmpi slt, %sub3A_230, %lt3A_232 : vector<16xi32>
      %add3A_234 = arith.constant 1000 : i32
      %add3A_235 = vector.broadcast %add3A_234 : i32 to vector<16xi32>
      %add3A_236 = arith.addi %sub3A_230, %add3A_235 : vector<16xi32>
      %select_n3A = arith.select %lt3A_233, %add3A_236, %sub3A_230 : vector<16xi1>, vector<16xi32>
      %swap3A = arith.index_cast %add3A_226 : i32 to index
      %swap3A_237 = tpu.vector_load %arg5[%swap3A] {strides = array<i32>} : memref<512xi32, #tpu.memory_space<vmem>>, vector<16xi32>,
      %swap3A_238 = vector.shape_cast %swap3A_237 : vector<16xi32> to vector<16xi32>
      %swap3A_239 = vector.shape_cast %select_n3A : vector<16xi32> to vector<16xi32>
      tpu.vector_store %arg5[%swap3A], %swap3A_239 {strides = array<i32>} : memref<512xi32, #tpu.memory_space<vmem>>, vector<16xi32>,
    }
    %scan3A_13 = arith.constant 8 : i32
    %scan3A_14 = arith.constant 0 : i32
    %scan3A_15 = arith.constant 0 : i32
    %scan3A_16 = arith.constant 8 : i32
    %scan3A_17 = arith.addi %scan3A_15, %scan3A_16 : i32
    %scan3A_18 = arith.constant 1 : i32
    scf.for %scan3A_222 = %scan3A_15 to %scan3A_17 step %scan3A_18  : i32 {
      %mul3A_223 = arith.constant 16 : i32
      %mul3A_224 = arith.muli %scan3A_222, %mul3A_223 : i32
      %add3A_225 = arith.constant 128 : i32
      %add3A_226 = arith.addi %add3A_225, %mul3A_224 : i32
      %get3A = arith.index_cast %add3A_226 : i32 to index
      %get3A_227 = tpu.vector_load %arg5[%get3A] {strides = array<i32>} : memref<512xi32, #tpu.memory_space<vmem>>, vector<16xi32>,
      %get3A_228 = vector.shape_cast %get3A_227 : vector<16xi32> to vector<16xi32>
      %sub3A = arith.constant 1 : i32
      %sub3A_229 = vector.broadcast %sub3A : i32 to vector<16xi32>
      %sub3A_230 = arith.subi %get3A_228, %sub3A_229 : vector<16xi32>
      %lt3A_231 = arith.constant 0 : i32
      %lt3A_232 = vector.broadcast %lt3A_231 : i32 to vector<16xi32>
      %lt3A_233 = arith.cmpi slt, %sub3A_230, %lt3A_232 : vector<16xi32>
      %add3A_234 = arith.constant 1000 : i32
      %add3A_235 = vector.broadcast %add3A_234 : i32 to vector<16xi32>
      %add3A_236 = arith.addi %sub3A_230, %add3A_235 : vector<16xi32>
      %select_n3A = arith.select %lt3A_233, %add3A_236, %sub3A_230 : vector<16xi1>, vector<16xi32>
      %swap3A = arith.index_cast %add3A_226 : i32 to index
      %swap3A_237 = tpu.vector_load %arg5[%swap3A] {strides = array<i32>} : memref<512xi32, #tpu.memory_space<vmem>>, vector<16xi32>,
      %swap3A_238 = vector.shape_cast %swap3A_237 : vector<16xi32> to vector<16xi32>
      %swap3A_239 = vector.shape_cast %select_n3A : vector<16xi32> to vector<16xi32>
      tpu.vector_store %arg5[%swap3A], %swap3A_239 {strides = array<i32>} : memref<512xi32, #tpu.memory_space<vmem>>, vector<16xi32>,
    }
    %scan3A_19 = arith.constant 8 : i32
    %scan3A_20 = arith.constant 0 : i32
    %scan3A_21 = arith.constant 0 : i32
    %scan3A_22 = arith.constant 8 : i32
    %scan3A_23 = arith.addi %scan3A_21, %scan3A_22 : i32
    %scan3A_24 = arith.constant 1 : i32
    scf.for %scan3A_222 = %scan3A_21 to %scan3A_23 step %scan3A_24  : i32 {
      %mul3A_223 = arith.constant 16 : i32
      %mul3A_224 = arith.muli %scan3A_222, %mul3A_223 : i32
      %add3A_225 = arith.constant 256 : i32
      %add3A_226 = arith.addi %add3A_225, %mul3A_224 : i32
      %get3A = arith.index_cast %add3A_226 : i32 to index
      %get3A_227 = tpu.vector_load %arg5[%get3A] {strides = array<i32>} : memref<512xi32, #tpu.memory_space<vmem>>, vector<16xi32>,
      %get3A_228 = vector.shape_cast %get3A_227 : vector<16xi32> to vector<16xi32>
      %sub3A = arith.constant 1 : i32
      %sub3A_229 = vector.broadcast %sub3A : i32 to vector<16xi32>
      %sub3A_230 = arith.subi %get3A_228, %sub3A_229 : vector<16xi32>
      %lt3A_231 = arith.constant 0 : i32
      %lt3A_232 = vector.broadcast %lt3A_231 : i32 to vector<16xi32>
      %lt3A_233 = arith.cmpi slt, %sub3A_230, %lt3A_232 : vector<16xi32>
      %add3A_234 = arith.constant 1000 : i32
      %add3A_235 = vector.broadcast %add3A_234 : i32 to vector<16xi32>
      %add3A_236 = arith.addi %sub3A_230, %add3A_235 : vector<16xi32>
      %select_n3A = arith.select %lt3A_233, %add3A_236, %sub3A_230 : vector<16xi1>, vector<16xi32>
      %swap3A = arith.index_cast %add3A_226 : i32 to index
      %swap3A_237 = tpu.vector_load %arg5[%swap3A] {strides = array<i32>} : memref<512xi32, #tpu.memory_space<vmem>>, vector<16xi32>,
      %swap3A_238 = vector.shape_cast %swap3A_237 : vector<16xi32> to vector<16xi32>
      %swap3A_239 = vector.shape_cast %select_n3A : vector<16xi32> to vector<16xi32>
      tpu.vector_store %arg5[%swap3A], %swap3A_239 {strides = array<i32>} : memref<512xi32, #tpu.memory_space<vmem>>, vector<16xi32>,
    }
    %scan3A_25 = arith.constant 8 : i32
    %scan3A_26 = arith.constant 0 : i32
    %scan3A_27 = arith.constant 0 : i32
    %scan3A_28 = arith.constant 8 : i32
    %scan3A_29 = arith.addi %scan3A_27, %scan3A_28 : i32
    %scan3A_30 = arith.constant 1 : i32
    scf.for %scan3A_222 = %scan3A_27 to %scan3A_29 step %scan3A_30  : i32 {
      %mul3A_223 = arith.constant 16 : i32
      %mul3A_224 = arith.muli %scan3A_222, %mul3A_223 : i32
      %add3A_225 = arith.constant 384 : i32
      %add3A_226 = arith.addi %add3A_225, %mul3A_224 : i32
      %get3A = arith.index_cast %add3A_226 : i32 to index
      %get3A_227 = tpu.vector_load %arg5[%get3A] {strides = array<i32>} : memref<512xi32, #tpu.memory_space<vmem>>, vector<16xi32>,
      %get3A_228 = vector.shape_cast %get3A_227 : vector<16xi32> to vector<16xi32>
      %sub3A = arith.constant 1 : i32
      %sub3A_229 = vector.broadcast %sub3A : i32 to vector<16xi32>
      %sub3A_230 = arith.subi %get3A_228, %sub3A_229 : vector<16xi32>
      %lt3A_231 = arith.constant 0 : i32
      %lt3A_232 = vector.broadcast %lt3A_231 : i32 to vector<16xi32>
      %lt3A_233 = arith.cmpi slt, %sub3A_230, %lt3A_232 : vector<16xi32>
      %add3A_234 = arith.constant 1000 : i32
      %add3A_235 = vector.broadcast %add3A_234 : i32 to vector<16xi32>
      %add3A_236 = arith.addi %sub3A_230, %add3A_235 : vector<16xi32>
      %select_n3A = arith.select %lt3A_233, %add3A_236, %sub3A_230 : vector<16xi1>, vector<16xi32>
      %swap3A = arith.index_cast %add3A_226 : i32 to index
      %swap3A_237 = tpu.vector_load %arg5[%swap3A] {strides = array<i32>} : memref<512xi32, #tpu.memory_space<vmem>>, vector<16xi32>,
      %swap3A_238 = vector.shape_cast %swap3A_237 : vector<16xi32> to vector<16xi32>
      %swap3A_239 = vector.shape_cast %select_n3A : vector<16xi32> to vector<16xi32>
      tpu.vector_store %arg5[%swap3A], %swap3A_239 {strides = array<i32>} : memref<512xi32, #tpu.memory_space<vmem>>, vector<16xi32>,
    }
    %scan3A_31 = arith.constant 8 : i32
    %barrier3A = arith.constant 0 : index
    tpu.barrier barrier_id(%barrier3A)
    %dma_start3A = arith.constant 0 : i32
    %dma_start3A_32 = arith.constant 0 : i32
    %dma_start3A_33 = arith.constant 0 : i32
    %dma_start3A_34 = tpu.memref_slice %arg6[%dma_start3A, %dma_start3A_32, %dma_start3A_33] : memref<4x128x128xf32, #tpu.memory_space<vmem>> -> memref<1x128x128xf32, #tpu.memory_space<vmem>>
    %dma_start3A_35 = tpu.memref_squeeze %dma_start3A_34 : memref<1x128x128xf32, #tpu.memory_space<vmem>> -> memref<128x128xf32, #tpu.memory_space<vmem>>
    %dma_start3A_36 = arith.constant 0 : i32
    %dma_start3A_37 = tpu.memref_slice %arg5[%dma_start3A_36] : memref<512xi32, #tpu.memory_space<vmem>> -> memref<128xi32, #tpu.memory_space<vmem>>
    %dma_start3A_38 = arith.constant 0 : i32
    %dma_start3A_39 = arith.constant 0 : i32
    %dma_start3A_40 = tpu.memref_slice %arg7[%dma_start3A_38, %dma_start3A_39] : memref<1000x128xf32, #tpu.memory_space<vmem_shared>> -> memref<1000x128xf32, #tpu.memory_space<vmem_shared>>
    tpu.enqueue_indirect_dma source(%dma_start3A_40 : memref<1000x128xf32, #tpu.memory_space<vmem_shared>>) target(%dma_start3A_35 : memref<128x128xf32, #tpu.memory_space<vmem>>) offsets(%dma_start3A_37 : memref<128xi32, #tpu.memory_space<vmem>>) semaphore(%arg8 : memref<!tpu.dma_semaphore, #tpu.memory_space<semaphore_mem>>)
    %dma_start3A_41 = arith.constant 1 : i32
    %dma_start3A_42 = arith.constant 0 : i32
    %dma_start3A_43 = arith.constant 0 : i32
    %dma_start3A_44 = tpu.memref_slice %arg6[%dma_start3A_41, %dma_start3A_42, %dma_start3A_43] : memref<4x128x128xf32, #tpu.memory_space<vmem>> -> memref<1x128x128xf32, #tpu.memory_space<vmem>>
    %dma_start3A_45 = tpu.memref_squeeze %dma_start3A_44 : memref<1x128x128xf32, #tpu.memory_space<vmem>> -> memref<128x128xf32, #tpu.memory_space<vmem>>
    %dma_start3A_46 = arith.constant 128 : i32
    %dma_start3A_47 = tpu.memref_slice %arg5[%dma_start3A_46] : memref<512xi32, #tpu.memory_space<vmem>> -> memref<128xi32, #tpu.memory_space<vmem>>
    %dma_start3A_48 = arith.constant 0 : i32
    %dma_start3A_49 = arith.constant 0 : i32
    %dma_start3A_50 = tpu.memref_slice %arg7[%dma_start3A_48, %dma_start3A_49] : memref<1000x128xf32, #tpu.memory_space<vmem_shared>> -> memref<1000x128xf32, #tpu.memory_space<vmem_shared>>
    tpu.enqueue_indirect_dma source(%dma_start3A_50 : memref<1000x128xf32, #tpu.memory_space<vmem_shared>>) target(%dma_start3A_45 : memref<128x128xf32, #tpu.memory_space<vmem>>) offsets(%dma_start3A_47 : memref<128xi32, #tpu.memory_space<vmem>>) semaphore(%arg9 : memref<!tpu.dma_semaphore, #tpu.memory_space<semaphore_mem>>)
    %dma_start3A_51 = arith.constant 2 : i32
    %dma_start3A_52 = arith.constant 0 : i32
    %dma_start3A_53 = arith.constant 0 : i32
    %dma_start3A_54 = tpu.memref_slice %arg6[%dma_start3A_51, %dma_start3A_52, %dma_start3A_53] : memref<4x128x128xf32, #tpu.memory_space<vmem>> -> memref<1x128x128xf32, #tpu.memory_space<vmem>>
    %dma_start3A_55 = tpu.memref_squeeze %dma_start3A_54 : memref<1x128x128xf32, #tpu.memory_space<vmem>> -> memref<128x128xf32, #tpu.memory_space<vmem>>
    %dma_start3A_56 = arith.constant 256 : i32
    %dma_start3A_57 = tpu.memref_slice %arg5[%dma_start3A_56] : memref<512xi32, #tpu.memory_space<vmem>> -> memref<128xi32, #tpu.memory_space<vmem>>
    %dma_start3A_58 = arith.constant 0 : i32
    %dma_start3A_59 = arith.constant 0 : i32
    %dma_start3A_60 = tpu.memref_slice %arg7[%dma_start3A_58, %dma_start3A_59] : memref<1000x128xf32, #tpu.memory_space<vmem_shared>> -> memref<1000x128xf32, #tpu.memory_space<vmem_shared>>
    tpu.enqueue_indirect_dma source(%dma_start3A_60 : memref<1000x128xf32, #tpu.memory_space<vmem_shared>>) target(%dma_start3A_55 : memref<128x128xf32, #tpu.memory_space<vmem>>) offsets(%dma_start3A_57 : memref<128xi32, #tpu.memory_space<vmem>>) semaphore(%arg8 : memref<!tpu.dma_semaphore, #tpu.memory_space<semaphore_mem>>)
    %dma_start3A_61 = arith.constant 3 : i32
    %dma_start3A_62 = arith.constant 0 : i32
    %dma_start3A_63 = arith.constant 0 : i32
    %dma_start3A_64 = tpu.memref_slice %arg6[%dma_start3A_61, %dma_start3A_62, %dma_start3A_63] : memref<4x128x128xf32, #tpu.memory_space<vmem>> -> memref<1x128x128xf32, #tpu.memory_space<vmem>>
    %dma_start3A_65 = tpu.memref_squeeze %dma_start3A_64 : memref<1x128x128xf32, #tpu.memory_space<vmem>> -> memref<128x128xf32, #tpu.memory_space<vmem>>
    %dma_start3A_66 = arith.constant 384 : i32
    %dma_start3A_67 = tpu.memref_slice %arg5[%dma_start3A_66] : memref<512xi32, #tpu.memory_space<vmem>> -> memref<128xi32, #tpu.memory_space<vmem>>
    %dma_start3A_68 = arith.constant 0 : i32
    %dma_start3A_69 = arith.constant 0 : i32
    %dma_start3A_70 = tpu.memref_slice %arg7[%dma_start3A_68, %dma_start3A_69] : memref<1000x128xf32, #tpu.memory_space<vmem_shared>> -> memref<1000x128xf32, #tpu.memory_space<vmem_shared>>
    tpu.enqueue_indirect_dma source(%dma_start3A_70 : memref<1000x128xf32, #tpu.memory_space<vmem_shared>>) target(%dma_start3A_65 : memref<128x128xf32, #tpu.memory_space<vmem>>) offsets(%dma_start3A_67 : memref<128xi32, #tpu.memory_space<vmem>>) semaphore(%arg9 : memref<!tpu.dma_semaphore, #tpu.memory_space<semaphore_mem>>)
    %dma_wait3A = arith.constant 0 : i32
    %dma_wait3A_71 = arith.constant 0 : i32
    %dma_wait3A_72 = arith.constant 0 : i32
    %dma_wait3A_73 = tpu.memref_slice %arg6[%dma_wait3A, %dma_wait3A_71, %dma_wait3A_72] : memref<4x128x128xf32, #tpu.memory_space<vmem>> -> memref<1x128x128xf32, #tpu.memory_space<vmem>>
    %dma_wait3A_74 = tpu.memref_squeeze %dma_wait3A_73 : memref<1x128x128xf32, #tpu.memory_space<vmem>> -> memref<128x128xf32, #tpu.memory_space<vmem>>
    %dma_wait3A_75 = arith.constant 0 : i32
    %dma_wait3A_76 = tpu.memref_slice %arg5[%dma_wait3A_75] : memref<512xi32, #tpu.memory_space<vmem>> -> memref<128xi32, #tpu.memory_space<vmem>>
    %dma_wait3A_77 = arith.constant 0 : i32
    %dma_wait3A_78 = arith.constant 0 : i32
    %dma_wait3A_79 = tpu.memref_slice %arg7[%dma_wait3A_77, %dma_wait3A_78] : memref<1000x128xf32, #tpu.memory_space<vmem_shared>> -> memref<1000x128xf32, #tpu.memory_space<vmem_shared>>
    tpu.wait_indirect_dma semaphore(%arg8 : memref<!tpu.dma_semaphore, #tpu.memory_space<semaphore_mem>>) src(%dma_wait3A_79 : memref<1000x128xf32, #tpu.memory_space<vmem_shared>>) dst(%dma_wait3A_74 : memref<128x128xf32, #tpu.memory_space<vmem>>)
    %add3A_80 = arith.constant 0 : i32
    %add3A_81 = arith.addi %mul3A_2, %add3A_80 : i32
    %dma_start3A_82 = arith.constant 0 : i32
    %dma_start3A_83 = arith.constant 0 : i32
    %dma_start3A_84 = arith.constant 0 : i32
    %dma_start3A_85 = tpu.memref_slice %arg6[%dma_start3A_82, %dma_start3A_83, %dma_start3A_84] : memref<4x128x128xf32, #tpu.memory_space<vmem>> -> memref<1x128x128xf32, #tpu.memory_space<vmem>>
    %dma_start3A_86 = tpu.memref_squeeze %dma_start3A_85 : memref<1x128x128xf32, #tpu.memory_space<vmem>> -> memref<128x128xf32, #tpu.memory_space<vmem>>
    %dma_start3A_87 = arith.constant 0 : i32
    %dma_start3A_88 = tpu.memref_slice %arg4[%add3A_81, %dma_start3A_87] : memref<16384x128xf32, #tpu.memory_space<hbm>> -> memref<128x128xf32, #tpu.memory_space<hbm>>
    %dma_start3A_89 = arith.constant 0 : i32
    %dma_start3A_90 = tpu.memref_slice %arg4[%add3A_81, %dma_start3A_89] : memref<16384x128xf32, #tpu.memory_space<hbm>> -> memref<128x128xf32, #tpu.memory_space<hbm>>
    %dma_start3A_91 = arith.constant 0 : i32
    %dma_start3A_92 = arith.constant 0 : i32
    %dma_start3A_93 = tpu.memref_slice %arg6[%dma_start3A_82, %dma_start3A_91, %dma_start3A_92] : memref<4x128x128xf32, #tpu.memory_space<vmem>> -> memref<1x128x128xf32, #tpu.memory_space<vmem>>
    %dma_start3A_94 = tpu.memref_squeeze %dma_start3A_93 : memref<1x128x128xf32, #tpu.memory_space<vmem>> -> memref<128x128xf32, #tpu.memory_space<vmem>>
    tpu.enqueue_dma source(%dma_start3A_94 : memref<128x128xf32, #tpu.memory_space<vmem>>) target(%dma_start3A_90 : memref<128x128xf32, #tpu.memory_space<hbm>>) target_semaphore(%arg10 : memref<!tpu.dma_semaphore, #tpu.memory_space<semaphore_mem>>)
    %dma_wait3A_95 = arith.constant 1 : i32
    %dma_wait3A_96 = arith.constant 0 : i32
    %dma_wait3A_97 = arith.constant 0 : i32
    %dma_wait3A_98 = tpu.memref_slice %arg6[%dma_wait3A_95, %dma_wait3A_96, %dma_wait3A_97] : memref<4x128x128xf32, #tpu.memory_space<vmem>> -> memref<1x128x128xf32, #tpu.memory_space<vmem>>
    %dma_wait3A_99 = tpu.memref_squeeze %dma_wait3A_98 : memref<1x128x128xf32, #tpu.memory_space<vmem>> -> memref<128x128xf32, #tpu.memory_space<vmem>>
    %dma_wait3A_100 = arith.constant 128 : i32
    %dma_wait3A_101 = tpu.memref_slice %arg5[%dma_wait3A_100] : memref<512xi32, #tpu.memory_space<vmem>> -> memref<128xi32, #tpu.memory_space<vmem>>
    %dma_wait3A_102 = arith.constant 0 : i32
    %dma_wait3A_103 = arith.constant 0 : i32
    %dma_wait3A_104 = tpu.memref_slice %arg7[%dma_wait3A_102, %dma_wait3A_103] : memref<1000x128xf32, #tpu.memory_space<vmem_shared>> -> memref<1000x128xf32, #tpu.memory_space<vmem_shared>>
    tpu.wait_indirect_dma semaphore(%arg9 : memref<!tpu.dma_semaphore, #tpu.memory_space<semaphore_mem>>) src(%dma_wait3A_104 : memref<1000x128xf32, #tpu.memory_space<vmem_shared>>) dst(%dma_wait3A_99 : memref<128x128xf32, #tpu.memory_space<vmem>>)
    %add3A_105 = arith.constant 128 : i32
    %add3A_106 = arith.addi %mul3A_2, %add3A_105 : i32
    %dma_start3A_107 = arith.constant 1 : i32
    %dma_start3A_108 = arith.constant 0 : i32
    %dma_start3A_109 = arith.constant 0 : i32
    %dma_start3A_110 = tpu.memref_slice %arg6[%dma_start3A_107, %dma_start3A_108, %dma_start3A_109] : memref<4x128x128xf32, #tpu.memory_space<vmem>> -> memref<1x128x128xf32, #tpu.memory_space<vmem>>
    %dma_start3A_111 = tpu.memref_squeeze %dma_start3A_110 : memref<1x128x128xf32, #tpu.memory_space<vmem>> -> memref<128x128xf32, #tpu.memory_space<vmem>>
    %dma_start3A_112 = arith.constant 0 : i32
    %dma_start3A_113 = tpu.memref_slice %arg4[%add3A_106, %dma_start3A_112] : memref<16384x128xf32, #tpu.memory_space<hbm>> -> memref<128x128xf32, #tpu.memory_space<hbm>>
    %dma_start3A_114 = arith.constant 0 : i32
    %dma_start3A_115 = tpu.memref_slice %arg4[%add3A_106, %dma_start3A_114] : memref<16384x128xf32, #tpu.memory_space<hbm>> -> memref<128x128xf32, #tpu.memory_space<hbm>>
    %dma_start3A_116 = arith.constant 0 : i32
    %dma_start3A_117 = arith.constant 0 : i32
    %dma_start3A_118 = tpu.memref_slice %arg6[%dma_start3A_107, %dma_start3A_116, %dma_start3A_117] : memref<4x128x128xf32, #tpu.memory_space<vmem>> -> memref<1x128x128xf32, #tpu.memory_space<vmem>>
    %dma_start3A_119 = tpu.memref_squeeze %dma_start3A_118 : memref<1x128x128xf32, #tpu.memory_space<vmem>> -> memref<128x128xf32, #tpu.memory_space<vmem>>
    tpu.enqueue_dma source(%dma_start3A_119 : memref<128x128xf32, #tpu.memory_space<vmem>>) target(%dma_start3A_115 : memref<128x128xf32, #tpu.memory_space<hbm>>) target_semaphore(%arg11 : memref<!tpu.dma_semaphore, #tpu.memory_space<semaphore_mem>>)
    %dma_wait3A_120 = arith.constant 2 : i32
    %dma_wait3A_121 = arith.constant 0 : i32
    %dma_wait3A_122 = arith.constant 0 : i32
    %dma_wait3A_123 = tpu.memref_slice %arg6[%dma_wait3A_120, %dma_wait3A_121, %dma_wait3A_122] : memref<4x128x128xf32, #tpu.memory_space<vmem>> -> memref<1x128x128xf32, #tpu.memory_space<vmem>>
    %dma_wait3A_124 = tpu.memref_squeeze %dma_wait3A_123 : memref<1x128x128xf32, #tpu.memory_space<vmem>> -> memref<128x128xf32, #tpu.memory_space<vmem>>
    %dma_wait3A_125 = arith.constant 256 : i32
    %dma_wait3A_126 = tpu.memref_slice %arg5[%dma_wait3A_125] : memref<512xi32, #tpu.memory_space<vmem>> -> memref<128xi32, #tpu.memory_space<vmem>>
    %dma_wait3A_127 = arith.constant 0 : i32
    %dma_wait3A_128 = arith.constant 0 : i32
    %dma_wait3A_129 = tpu.memref_slice %arg7[%dma_wait3A_127, %dma_wait3A_128] : memref<1000x128xf32, #tpu.memory_space<vmem_shared>> -> memref<1000x128xf32, #tpu.memory_space<vmem_shared>>
    tpu.wait_indirect_dma semaphore(%arg8 : memref<!tpu.dma_semaphore, #tpu.memory_space<semaphore_mem>>) src(%dma_wait3A_129 : memref<1000x128xf32, #tpu.memory_space<vmem_shared>>) dst(%dma_wait3A_124 : memref<128x128xf32, #tpu.memory_space<vmem>>)
    %add3A_130 = arith.constant 256 : i32
    %add3A_131 = arith.addi %mul3A_2, %add3A_130 : i32
    %dma_start3A_132 = arith.constant 2 : i32
    %dma_start3A_133 = arith.constant 0 : i32
    %dma_start3A_134 = arith.constant 0 : i32
    %dma_start3A_135 = tpu.memref_slice %arg6[%dma_start3A_132, %dma_start3A_133, %dma_start3A_134] : memref<4x128x128xf32, #tpu.memory_space<vmem>> -> memref<1x128x128xf32, #tpu.memory_space<vmem>>
    %dma_start3A_136 = tpu.memref_squeeze %dma_start3A_135 : memref<1x128x128xf32, #tpu.memory_space<vmem>> -> memref<128x128xf32, #tpu.memory_space<vmem>>
    %dma_start3A_137 = arith.constant 0 : i32
    %dma_start3A_138 = tpu.memref_slice %arg4[%add3A_131, %dma_start3A_137] : memref<16384x128xf32, #tpu.memory_space<hbm>> -> memref<128x128xf32, #tpu.memory_space<hbm>>
    %dma_start3A_139 = arith.constant 0 : i32
    %dma_start3A_140 = tpu.memref_slice %arg4[%add3A_131, %dma_start3A_139] : memref<16384x128xf32, #tpu.memory_space<hbm>> -> memref<128x128xf32, #tpu.memory_space<hbm>>
    %dma_start3A_141 = arith.constant 0 : i32
    %dma_start3A_142 = arith.constant 0 : i32
    %dma_start3A_143 = tpu.memref_slice %arg6[%dma_start3A_132, %dma_start3A_141, %dma_start3A_142] : memref<4x128x128xf32, #tpu.memory_space<vmem>> -> memref<1x128x128xf32, #tpu.memory_space<vmem>>
    %dma_start3A_144 = tpu.memref_squeeze %dma_start3A_143 : memref<1x128x128xf32, #tpu.memory_space<vmem>> -> memref<128x128xf32, #tpu.memory_space<vmem>>
    tpu.enqueue_dma source(%dma_start3A_144 : memref<128x128xf32, #tpu.memory_space<vmem>>) target(%dma_start3A_140 : memref<128x128xf32, #tpu.memory_space<hbm>>) target_semaphore(%arg10 : memref<!tpu.dma_semaphore, #tpu.memory_space<semaphore_mem>>)
    %dma_wait3A_145 = arith.constant 3 : i32
    %dma_wait3A_146 = arith.constant 0 : i32
    %dma_wait3A_147 = arith.constant 0 : i32
    %dma_wait3A_148 = tpu.memref_slice %arg6[%dma_wait3A_145, %dma_wait3A_146, %dma_wait3A_147] : memref<4x128x128xf32, #tpu.memory_space<vmem>> -> memref<1x128x128xf32, #tpu.memory_space<vmem>>
    %dma_wait3A_149 = tpu.memref_squeeze %dma_wait3A_148 : memref<1x128x128xf32, #tpu.memory_space<vmem>> -> memref<128x128xf32, #tpu.memory_space<vmem>>
    %dma_wait3A_150 = arith.constant 384 : i32
    %dma_wait3A_151 = tpu.memref_slice %arg5[%dma_wait3A_150] : memref<512xi32, #tpu.memory_space<vmem>> -> memref<128xi32, #tpu.memory_space<vmem>>
    %dma_wait3A_152 = arith.constant 0 : i32
    %dma_wait3A_153 = arith.constant 0 : i32
    %dma_wait3A_154 = tpu.memref_slice %arg7[%dma_wait3A_152, %dma_wait3A_153] : memref<1000x128xf32, #tpu.memory_space<vmem_shared>> -> memref<1000x128xf32, #tpu.memory_space<vmem_shared>>
    tpu.wait_indirect_dma semaphore(%arg9 : memref<!tpu.dma_semaphore, #tpu.memory_space<semaphore_mem>>) src(%dma_wait3A_154 : memref<1000x128xf32, #tpu.memory_space<vmem_shared>>) dst(%dma_wait3A_149 : memref<128x128xf32, #tpu.memory_space<vmem>>)
    %add3A_155 = arith.constant 384 : i32
    %add3A_156 = arith.addi %mul3A_2, %add3A_155 : i32
    %dma_start3A_157 = arith.constant 3 : i32
    %dma_start3A_158 = arith.constant 0 : i32
    %dma_start3A_159 = arith.constant 0 : i32
    %dma_start3A_160 = tpu.memref_slice %arg6[%dma_start3A_157, %dma_start3A_158, %dma_start3A_159] : memref<4x128x128xf32, #tpu.memory_space<vmem>> -> memref<1x128x128xf32, #tpu.memory_space<vmem>>
    %dma_start3A_161 = tpu.memref_squeeze %dma_start3A_160 : memref<1x128x128xf32, #tpu.memory_space<vmem>> -> memref<128x128xf32, #tpu.memory_space<vmem>>
    %dma_start3A_162 = arith.constant 0 : i32
    %dma_start3A_163 = tpu.memref_slice %arg4[%add3A_156, %dma_start3A_162] : memref<16384x128xf32, #tpu.memory_space<hbm>> -> memref<128x128xf32, #tpu.memory_space<hbm>>
    %dma_start3A_164 = arith.constant 0 : i32
    %dma_start3A_165 = tpu.memref_slice %arg4[%add3A_156, %dma_start3A_164] : memref<16384x128xf32, #tpu.memory_space<hbm>> -> memref<128x128xf32, #tpu.memory_space<hbm>>
    %dma_start3A_166 = arith.constant 0 : i32
    %dma_start3A_167 = arith.constant 0 : i32
    %dma_start3A_168 = tpu.memref_slice %arg6[%dma_start3A_157, %dma_start3A_166, %dma_start3A_167] : memref<4x128x128xf32, #tpu.memory_space<vmem>> -> memref<1x128x128xf32, #tpu.memory_space<vmem>>
    %dma_start3A_169 = tpu.memref_squeeze %dma_start3A_168 : memref<1x128x128xf32, #tpu.memory_space<vmem>> -> memref<128x128xf32, #tpu.memory_space<vmem>>
    tpu.enqueue_dma source(%dma_start3A_169 : memref<128x128xf32, #tpu.memory_space<vmem>>) target(%dma_start3A_165 : memref<128x128xf32, #tpu.memory_space<hbm>>) target_semaphore(%arg11 : memref<!tpu.dma_semaphore, #tpu.memory_space<semaphore_mem>>)
    %dma_wait3A_170 = arith.constant 0 : i32
    %dma_wait3A_171 = arith.constant 0 : i32
    %dma_wait3A_172 = arith.constant 0 : i32
    %dma_wait3A_173 = tpu.memref_slice %arg6[%dma_wait3A_170, %dma_wait3A_171, %dma_wait3A_172] : memref<4x128x128xf32, #tpu.memory_space<vmem>> -> memref<1x128x128xf32, #tpu.memory_space<vmem>>
    %dma_wait3A_174 = tpu.memref_squeeze %dma_wait3A_173 : memref<1x128x128xf32, #tpu.memory_space<vmem>> -> memref<128x128xf32, #tpu.memory_space<vmem>>
    %dma_wait3A_175 = arith.constant 0 : i32
    %dma_wait3A_176 = tpu.memref_slice %arg4[%add3A_81, %dma_wait3A_175] : memref<16384x128xf32, #tpu.memory_space<hbm>> -> memref<128x128xf32, #tpu.memory_space<hbm>>
    %dma_wait3A_177 = arith.constant 0 : i32
    %dma_wait3A_178 = tpu.memref_slice %arg4[%add3A_81, %dma_wait3A_177] : memref<16384x128xf32, #tpu.memory_space<hbm>> -> memref<128x128xf32, #tpu.memory_space<hbm>>
    %dma_wait3A_179 = arith.constant 0 : i32
    %dma_wait3A_180 = arith.constant 0 : i32
    %dma_wait3A_181 = tpu.memref_slice %arg6[%dma_wait3A_170, %dma_wait3A_179, %dma_wait3A_180] : memref<4x128x128xf32, #tpu.memory_space<vmem>> -> memref<1x128x128xf32, #tpu.memory_space<vmem>>
    %dma_wait3A_182 = tpu.memref_squeeze %dma_wait3A_181 : memref<1x128x128xf32, #tpu.memory_space<vmem>> -> memref<128x128xf32, #tpu.memory_space<vmem>>
    tpu.wait_dma2 semaphore(%arg10 : memref<!tpu.dma_semaphore, #tpu.memory_space<semaphore_mem>>) src(%dma_wait3A_182 : memref<128x128xf32, #tpu.memory_space<vmem>>) dst(%dma_wait3A_178 : memref<128x128xf32, #tpu.memory_space<hbm>>)
    %dma_wait3A_183 = arith.constant 1 : i32
    %dma_wait3A_184 = arith.constant 0 : i32
    %dma_wait3A_185 = arith.constant 0 : i32
    %dma_wait3A_186 = tpu.memref_slice %arg6[%dma_wait3A_183, %dma_wait3A_184, %dma_wait3A_185] : memref<4x128x128xf32, #tpu.memory_space<vmem>> -> memref<1x128x128xf32, #tpu.memory_space<vmem>>
    %dma_wait3A_187 = tpu.memref_squeeze %dma_wait3A_186 : memref<1x128x128xf32, #tpu.memory_space<vmem>> -> memref<128x128xf32, #tpu.memory_space<vmem>>
    %dma_wait3A_188 = arith.constant 0 : i32
    %dma_wait3A_189 = tpu.memref_slice %arg4[%add3A_106, %dma_wait3A_188] : memref<16384x128xf32, #tpu.memory_space<hbm>> -> memref<128x128xf32, #tpu.memory_space<hbm>>
    %dma_wait3A_190 = arith.constant 0 : i32
    %dma_wait3A_191 = tpu.memref_slice %arg4[%add3A_106, %dma_wait3A_190] : memref<16384x128xf32, #tpu.memory_space<hbm>> -> memref<128x128xf32, #tpu.memory_space<hbm>>
    %dma_wait3A_192 = arith.constant 0 : i32
    %dma_wait3A_193 = arith.constant 0 : i32
    %dma_wait3A_194 = tpu.memref_slice %arg6[%dma_wait3A_183, %dma_wait3A_192, %dma_wait3A_193] : memref<4x128x128xf32, #tpu.memory_space<vmem>> -> memref<1x128x128xf32, #tpu.memory_space<vmem>>
    %dma_wait3A_195 = tpu.memref_squeeze %dma_wait3A_194 : memref<1x128x128xf32, #tpu.memory_space<vmem>> -> memref<128x128xf32, #tpu.memory_space<vmem>>
    tpu.wait_dma2 semaphore(%arg11 : memref<!tpu.dma_semaphore, #tpu.memory_space<semaphore_mem>>) src(%dma_wait3A_195 : memref<128x128xf32, #tpu.memory_space<vmem>>) dst(%dma_wait3A_191 : memref<128x128xf32, #tpu.memory_space<hbm>>)
    %dma_wait3A_196 = arith.constant 2 : i32
    %dma_wait3A_197 = arith.constant 0 : i32
    %dma_wait3A_198 = arith.constant 0 : i32
    %dma_wait3A_199 = tpu.memref_slice %arg6[%dma_wait3A_196, %dma_wait3A_197, %dma_wait3A_198] : memref<4x128x128xf32, #tpu.memory_space<vmem>> -> memref<1x128x128xf32, #tpu.memory_space<vmem>>
    %dma_wait3A_200 = tpu.memref_squeeze %dma_wait3A_199 : memref<1x128x128xf32, #tpu.memory_space<vmem>> -> memref<128x128xf32, #tpu.memory_space<vmem>>
    %dma_wait3A_201 = arith.constant 0 : i32
    %dma_wait3A_202 = tpu.memref_slice %arg4[%add3A_131, %dma_wait3A_201] : memref<16384x128xf32, #tpu.memory_space<hbm>> -> memref<128x128xf32, #tpu.memory_space<hbm>>
    %dma_wait3A_203 = arith.constant 0 : i32
    %dma_wait3A_204 = tpu.memref_slice %arg4[%add3A_131, %dma_wait3A_203] : memref<16384x128xf32, #tpu.memory_space<hbm>> -> memref<128x128xf32, #tpu.memory_space<hbm>>
    %dma_wait3A_205 = arith.constant 0 : i32
    %dma_wait3A_206 = arith.constant 0 : i32
    %dma_wait3A_207 = tpu.memref_slice %arg6[%dma_wait3A_196, %dma_wait3A_205, %dma_wait3A_206] : memref<4x128x128xf32, #tpu.memory_space<vmem>> -> memref<1x128x128xf32, #tpu.memory_space<vmem>>
    %dma_wait3A_208 = tpu.memref_squeeze %dma_wait3A_207 : memref<1x128x128xf32, #tpu.memory_space<vmem>> -> memref<128x128xf32, #tpu.memory_space<vmem>>
    tpu.wait_dma2 semaphore(%arg10 : memref<!tpu.dma_semaphore, #tpu.memory_space<semaphore_mem>>) src(%dma_wait3A_208 : memref<128x128xf32, #tpu.memory_space<vmem>>) dst(%dma_wait3A_204 : memref<128x128xf32, #tpu.memory_space<hbm>>)
    %dma_wait3A_209 = arith.constant 3 : i32
    %dma_wait3A_210 = arith.constant 0 : i32
    %dma_wait3A_211 = arith.constant 0 : i32
    %dma_wait3A_212 = tpu.memref_slice %arg6[%dma_wait3A_209, %dma_wait3A_210, %dma_wait3A_211] : memref<4x128x128xf32, #tpu.memory_space<vmem>> -> memref<1x128x128xf32, #tpu.memory_space<vmem>>
    %dma_wait3A_213 = tpu.memref_squeeze %dma_wait3A_212 : memref<1x128x128xf32, #tpu.memory_space<vmem>> -> memref<128x128xf32, #tpu.memory_space<vmem>>
    %dma_wait3A_214 = arith.constant 0 : i32
    %dma_wait3A_215 = tpu.memref_slice %arg4[%add3A_156, %dma_wait3A_214] : memref<16384x128xf32, #tpu.memory_space<hbm>> -> memref<128x128xf32, #tpu.memory_space<hbm>>
    %dma_wait3A_216 = arith.constant 0 : i32
    %dma_wait3A_217 = tpu.memref_slice %arg4[%add3A_156, %dma_wait3A_216] : memref<16384x128xf32, #tpu.memory_space<hbm>> -> memref<128x128xf32, #tpu.memory_space<hbm>>
    %dma_wait3A_218 = arith.constant 0 : i32
    %dma_wait3A_219 = arith.constant 0 : i32
    %dma_wait3A_220 = tpu.memref_slice %arg6[%dma_wait3A_209, %dma_wait3A_218, %dma_wait3A_219] : memref<4x128x128xf32, #tpu.memory_space<vmem>> -> memref<1x128x128xf32, #tpu.memory_space<vmem>>
    %dma_wait3A_221 = tpu.memref_squeeze %dma_wait3A_220 : memref<1x128x128xf32, #tpu.memory_space<vmem>> -> memref<128x128xf32, #tpu.memory_space<vmem>>
    tpu.wait_dma2 semaphore(%arg11 : memref<!tpu.dma_semaphore, #tpu.memory_space<semaphore_mem>>) src(%dma_wait3A_221 : memref<128x128xf32, #tpu.memory_space<vmem>>) dst(%dma_wait3A_217 : memref<128x128xf32, #tpu.memory_space<hbm>>)
    return
  }
}

</mosaic_0001>

<sc_bundles>
// kernel: kernel.3.cloned.1.call-start
scs
__scs_entry_jumppad:
0x0: {  	(pc) =	sbr.rel $0x88, $3  }
0x1: {  	(tag) =	ssettag $0x0;
	lr =	simm.s32 $0x1  }
0x2: {  	[smem:$0x3F9F] =	sst lr;
	_ =	strace $0xD0000000  }
0x3: {  	_ = 	snop  }
0x4: {  	_ = 	snop  }
0x5: {  	_ = 	snop  }
0x6: {  	_ = 	snop  }
0x7: {  	_ = 	snop  }
__scs_overlays_trampoline_lowered:
0x8: {  	[smem:$0x3FAE] =	sst s0  }
0x9: {  	[smem:$0x3FAF] =	sst s1  }
0xa: {  	[smem:$0x3FB0] =	sst s2  }
0xb: {  	[smem:$0x3FB1] =	sst s3  }
0xc: {  	[smem:$0x3FB2] =	sst s4  }
0xd: {  	[smem:$0x3FB3] =	sst s5  }
0xe: {  	[smem:$0x3FB4] =	sst s6  }
0xf: {  	[smem:$0x3FB5] =	sst s7  }
0x10: {  	[smem:$0x3FB6] =	sst s8  }
0x11: {  	[smem:$0x3FB7] =	sst s9;
	s0 =	simm.s32 @!p0 $0x0  }
0x12: {  	s1 =	sld [smem:$0x3F9D];
	s0 =	simm.s32 @p0 $0x1  }
0x13: {  	[smem:$0x3FB8] =	sst s0;
	s0 =	simm.s32 @!p1 $0x0  }
0x14: {  	s2 =	sld [smem:$0x3F9C];
	s0 =	simm.s32 @p1 $0x1  }
0x15: {  	[smem:$0x3FB9] =	sst s0;
	s0 =	simm.s32 @!p2 $0x0  }
0x16: {  	s3 =	sld [smem:$0x3FDB];
	s0 =	simm.s32 @p2 $0x1  }
0x17: {  	s4 =	simm.s32 $0x1BF5;
	[smem:$0x3FBB] =	sst s0  }
0x18: {  	s0 =	sld [smem:$0x3F9E];
	_ =	swait.ge [sflag:s4], $0x0  }
0x19: {  	s7 =	sld [smem:$0x3F9F]  }
0x1a: {  	s8 =	sadd.s32 $0xFFFFE003, lr  }
0x1b: {  	s9 =	sadd.s32 $0xFFFFFEF7, lr;
	s5 =	simm.s32 $0xFFFFFFFF;
	p2 =	slt.u32 s8, $0xFFFFF086  }
0x1c: {  	p1 =	slt.u32 s9, $0xF7A;
	s5 =	simm.s32 @!p2 $0x0  }
0x1d: {  	s5 =	simm.s32 @p1 $0x1;
	p0 =	seq.s32 s7, s2  }
0x1e: {  	s7 =	smul.u32 @!p0 $0xF7A, s2;
	p2 =	seq.s32 @!p0 s5, $0x0  }
0x1f: {  	s9 =	smul.u32 $0xF7A, s1;
	s8 =	simm.s32 @!p0 $0x1BF5;
	p2 =	por !p2, p0  }
0x20: {  	[sflag:s8] =	ssyncset.s32 @!p0 $0xFFFFF086;
	s6 =	sadd.s32 @!p0 s3, s7;
	s7 =	simm.s32 @!p0 $0x108  }
0x21: {  	s3 =	sadd.s32 s3, s9;
	s6 =	sadd.s32 @!p0 $0x88, s6;
	s7 =	simm.s32 @p2 $0x1082  }
0x22: {  	[simem:s7], [sflag:s8] =	dma.local @!p0 [hbm:s6], $0xF7A  }
0x23: {  	s9 =	sor.u32 $0xD0000000, s2;
	s6 =	simm.s32 $0x108;
	_ =	swait.ge @!p0 [sflag:s8], $0x0  }
0x24: {  	s3 =	sadd.s32 $0x88, s3;
	s6 =	simm.s32 @!p1 $0x1082;
	[sflag:s4] =	ssyncset.s32 $0xFFFFF086  }
0x25: {  	[simem:s6], [sflag:s4] =	dma.local [hbm:s3], $0xF7A  }
0x26: {  	[smem:$0x3F9F] =	sst s1;
	(tag) =	ssettag s2;
	_ =	strace s9  }
0x27: {  	s1 =	sld [smem:$0x3FAF]  }
0x28: {  	s2 =	sld [smem:$0x3FB0]  }
0x29: {  	s4 =	sld [smem:$0x3FB2]  }
0x2a: {  	p0 =	seq.s32 s5, $0x0;
	s5 =	sld [smem:$0x3FB3]  }
0x2b: {  	s6 =	sld [smem:$0x3FB4]  }
0x2c: {  	s7 =	sld [smem:$0x3FB5]  }
0x2d: {  	s3 =	simm.s32 $0x108;
	s8 =	sld [smem:$0x3FB6]  }
0x2e: {  	s3 =	simm.s32 @!p0 $0x1082;
	s9 =	sld [smem:$0x3FB7]  }
0x2f: {  	lr =	sadd.s32 s0, s3;
	s0 =	sld [smem:$0x3FAE]  }
0x30: {  	s3 =	sld [smem:$0x3FB1]  }
0x31: {  	[smem:$0x3FBA] =	sst s10  }
0x32: {  	s10 =	sld [smem:$0x3FB8];
	_ =	sdelay $0x3  }
0x33: {  	p0 =	seq.s32 s10, $0x1;
	s10 =	sld [smem:$0x3FBA];
	_ =	sdelay $0x3  }
0x34: {  	[smem:$0x3FBA] =	sst s10  }
0x35: {  	s10 =	sld [smem:$0x3FB9];
	_ =	sdelay $0x3  }
0x36: {  	p1 =	seq.s32 s10, $0x1;
	s10 =	sld [smem:$0x3FBA];
	_ =	sdelay $0x3  }
0x37: {  	[smem:$0x3FBA] =	sst s10  }
0x38: {  	s10 =	sld [smem:$0x3FBB]  }
0x39: {  	_ = 	snop;
	(pc) =	sbr.ind lr, $3  }
0x3a: {  	_ = 	snop  }
0x3b: {  	_ = 	snop  }
0x3c: {  	p2 =	seq.s32 s10, $0x1;
	s10 =	sld [smem:$0x3FBA]  }
0x3d: {  	_ =	shalt  }
0x3e: {  	_ =	shalt  }
0x3f: {  	_ =	shalt  }
0x40: {  	_ =	shalt  }
0x41: {  	_ =	shalt  }
0x42: {  	_ =	shalt  }
0x43: {  	_ =	shalt  }
0x44: {  	_ =	shalt  }
0x45: {  	_ =	shalt  }
0x46: {  	_ =	shalt  }
0x47: {  	_ =	shalt  }
0x48: {  	_ =	shalt  }
0x49: {  	_ =	shalt  }
0x4a: {  	_ =	shalt  }
0x4b: {  	_ =	shalt  }
0x4c: {  	_ =	shalt  }
0x4d: {  	_ =	shalt  }
0x4e: {  	_ =	shalt  }
0x4f: {  	_ =	shalt  }
0x50: {  	_ =	shalt  }
0x51: {  	_ =	shalt  }
0x52: {  	_ =	shalt  }
0x53: {  	_ =	shalt  }
0x54: {  	_ =	shalt  }
0x55: {  	_ =	shalt  }
0x56: {  	_ =	shalt  }
0x57: {  	_ =	shalt  }
0x58: {  	_ =	shalt  }
0x59: {  	_ =	shalt  }
0x5a: {  	_ =	shalt  }
0x5b: {  	_ =	shalt  }
0x5c: {  	_ =	shalt  }
0x5d: {  	_ =	shalt  }
0x5e: {  	_ =	shalt  }
0x5f: {  	_ =	shalt  }
0x60: {  	_ =	shalt  }
0x61: {  	_ =	shalt  }
0x62: {  	_ =	shalt  }
0x63: {  	_ =	shalt  }
0x64: {  	_ =	shalt  }
0x65: {  	_ =	shalt  }
0x66: {  	_ =	shalt  }
0x67: {  	_ =	shalt  }
0x68: {  	_ =	shalt  }
0x69: {  	_ =	shalt  }
0x6a: {  	_ =	shalt  }
0x6b: {  	_ =	shalt  }
0x6c: {  	_ =	shalt  }
0x6d: {  	_ =	shalt  }
0x6e: {  	_ =	shalt  }
0x6f: {  	_ =	shalt  }
0x70: {  	_ =	shalt  }
0x71: {  	_ =	shalt  }
0x72: {  	_ =	shalt  }
0x73: {  	_ =	shalt  }
0x74: {  	_ =	shalt  }
0x75: {  	_ =	shalt  }
0x76: {  	_ =	shalt  }
0x77: {  	_ =	shalt  }
0x78: {  	_ =	shalt  }
0x79: {  	_ =	shalt  }
0x7a: {  	_ =	shalt  }
0x7b: {  	_ =	shalt  }
0x7c: {  	_ =	shalt  }
0x7d: {  	_ =	shalt  }
0x7e: {  	_ =	shalt  }
0x7f: {  	_ =	shalt  }
0x80: {  	_ =	shalt  }
0x81: {  	_ =	shalt  }
0x82: {  	_ =	shalt  }
0x83: {  	_ =	shalt  }
0x84: {  	_ =	shalt  }
0x85: {  	_ =	shalt  }
0x86: {  	_ =	shalt  }
0x87: {  	_ =	shalt  }
.Lfunc_end0:
.L_simem_size_0:
called_computation_lowered:
.L_overlay_start_0:
0x88: {  	s2 =	sld [smem:$0x3FD9]  }
0x89: {  	s3 =	sld [smem:$0x3FFE];
	_ =	sdelay $0x1  }
0x8a: {  	s1 =	srdreg.scid  }
0x8b: {  	s0 =	sand.u32 $0x1, s1  }
0x8c: {  	s18 =	sshll.u32 s0, $0xA;
	s2 =	sadd.s32 s3, s2  }
0x8d: {  	s2 =	sadd.s32 s2, s18  }
0x8e: {  	[smem:$0x3FC6] =	sst s2  }
0x8f: {  	_ = 	snop  }
0x90: {  	s2 =	sld [smem:$0x3FC9]  }
0x91: {  	s19 =	sld [smem:$0x3FC8]  }
0x92: {  	s4 =	sld [smem:$0x3FD0];
	(tm) =	ssettm $0x1  }
0x93: {  	s5 =	sld [smem:$0x3FFB];
	_ =	sdelay $0x3  }
0x94: {  	_ =	strace s5  }
0x95: {  	s5 =	sld [smem:$0x3FFC];
	_ =	sdelay $0x3  }
0x96: {  	_ =	strace s5  }
0x97: {  	s5 =	sld [smem:$0x3FFD];
	_ =	sdelay $0x3  }
0x98: {  	_ =	strace s5  }
0x99: {  	_ =	strace $0x8FFFFFFF  }
0x9a: {  	s20 =	sld [smem:$0x3FDB];
	_ =	sdelay $0x1  }
0x9b: {  	s6 =	simm.s32 $_scs_section_size  }
0x9c: {  	s7 =	simm.s32 $_size__tile_overlayer_lowered;
	s8 =	simm.s32 $_tile_overlayer_lowered  }
0x9d: {  	s23 =	simm.s32 $0x1BFF;
	s22 =	sshll.u32 s8, $0x1;
	s5 =	sadd.s32 s6, s20  }
0x9e: {  	s9 =	simm.s32 $0x0;
	s21 =	sshll.u32 s7, $0x1;
	s7 =	sadd.s32 s22, s5  }
0x9f: {  	[timem:s9], [sflag:s23] =	dma.local [hbm:s7], s21  }
0xa0: {  	_ =	swait.ge [sflag:s23], s21  }
0xa1: {  	s6 =	ssub.s32 $0x0, s21;
	[sflag:s23] =	ssyncset.done $0x0  }
0xa2: {  	[sflag:s23] =	ssyncadd.s32 s6;
	_ =	sdelay $0x1  }
0xa3: {  	s24 =	simm.s32 $0x1B8B  }
0xa4: {  	_ =	swait.ge [sflag:s24], $0x1  }
0xa5: {  	[sflag:s24] =	ssyncset.done $0x0  }
0xa6: {  	s25 =	simm.s32 $0x1B8E;
	[sflag:s24] =	ssyncadd.s32 $0xFFFFFFFF  }
0xa7: {  	s26 =	simm.s32 $execute0_lowered;
	[smem:$0x3FD2] =	sst s25  }
0xa8: {  	s6 =	sshll.u32 s26, $0x1;
	_ =	strace $0x80000046;
	[dreg:$0x1] =	wrdreg $0xFFFFFFFF  }
0xa9: {  	s28 =	simm.s32 $_size_execute0_lowered;
	s5 =	sadd.s32 s5, s6;
	[dreg:$0x0] =	wrdreg $0x0  }
0xaa: {  	s6 =	sshll.u32 s28, $0x1;
	[dreg:$0x2] =	wrdreg s5  }
0xab: {  	[dreg:$0x3] =	wrdreg s6  }
0xac: {  	[dreg:$0x4] =	wrdreg $0xC0  }
0xad: {  	_ =	task [dreg:s9], $0x5FFFF  }
0xae: {  	[dreg:$0x1] =	wrdreg $0xFFFFFFFF  }
0xaf: {  	[dreg:$0x0] =	wrdreg $0x60  }
0xb0: {  	[dreg:$0x2] =	wrdreg s2  }
0xb1: {  	[dreg:$0x3] =	wrdreg s19  }
0xb2: {  	[dreg:$0x4] =	wrdreg s4  }
0xb3: {  	[dreg:$0x5] =	wrdreg $0x102000  }
0xb4: {  	[dreg:$0x6] =	wrdreg $0x9  }
0xb5: {  	_ =	task.clear_ibuf [dreg:s9], $0x7FFFF;
	_ =	strace $0x90000046  }
0xb6: {  	s29 =	simm.s32 $0x9;
	_ =	strace $0x80000048  }
0xb7: {  	_ =	swait.ge [sflag:s29], $0x1  }
0xb8: {  	[sflag:s29] =	ssyncadd.s32 $0xFFFFFFFF  }
0xb9: {  	_ =	strace $0x90000048  }
0xba: {  	_ =	sfence  }
0xbb: {  	s30 =	sld [smem:$0x0];
	_ =	sdelay $0x2  }
0xbc: {  	s31 =	sshll.u32 s1, $0xD;
	s1 =	sshrl.u32 s1, $0x2  }
0xbd: {  	s3 =	sand.u32 $0x4000, s31;
	s1 =	sadd.s32 s1, s30  }
0xbe: {  	s0 =	sor.u32 s3, s0;
	s1 =	sshll.u32 s1, $0x11  }
0xbf: {  	s0 =	sor.u32 s1, s0  }
0xc0: {  	s0 =	sadd.s32 $0x8F2B, s0  }
0xc1: {  	[sflag:s0] =	ssyncadd.remote.s32 $0x1  }
0xc2: {  	_ =	sfence.sel $0xFFFF  }
0xc3: {  	[dreg:$0x0] =	wrdreg $0xFFFFFFFF;
	(pc) =	sbr.abs _section_cstart, $3  }
0xc4: {  	[dreg:$0x1] =	wrdreg $0xFFFFFFFF  }
0xc5: {  	_ =	task.clear_ibuf [dreg:s9], $0x2FFFF;
	_ =	strace $0x9FFFFFFF  }
0xc6: {  	(tm) =	ssettm $0x7FFFFFFF  }
0xc7: {  	_ =	shalt  }
tec
execute0_lowered:
.L_overlay_start_1:
0x0: {  	(tag) =	ssettag $0x1  }
0x1: {  	s4 =	rddreg [dreg:$0x0]  }
0x2: {  	s10 =	rddreg [dreg:$0x1]  }
0x3: {  	s14 =	rddreg [dreg:$0x2]  }
0x4: {  	s3 =	rddreg [dreg:$0x3]  }
0x5: {  	s2 =	srdreg.scid;
	s0 =	rddreg [dreg:$0x4]  }
0x6: {  	s1 =	stileid.u32;
	s15 =	sand.u32 $0x1, s2;
	s2 =	simm.s32 $0x0  }
0x7: {  	s5 =	sshll.u32 s1, $0xA;
	s7 =	sadd.s32 $0x1C000, s3;
	s6 =	sshll.u32 s15, $0x9  }
0x8: {  	p0 =	sgt.u32 s1, $0x6;
	s8 =	sshll.u32 s1, $0xE;
	s16 =	sor.u32 s6, s5  }
0x9: {  	[smem:$0x7FF] =	sst s2;
	p1 =	sne.s32 @p0 s1, $0x7;
	s5 =	sshrl.u32 s16, $0x3  }
0xa: {  	_ =	strace $0x80000047;
	s6 =	simm.s32 $0x5;
	s4 =	sadd.s32 s4, s5  }
0xb: {  	[tilespmem:s2], [sflag:$0x5] =	stream.linear.gather [hbm4b:s4+s2], $0x200, $0x38;
	[tilespmem:$0x12140] =	vst v63  }
0xc: {  	s12 =	sadd.s32 s8, s3;
	p1 =	por p1, !p0;
	_ =	swait.ge [sflag:s6], $0x200  }
0xd: {  	s7 =	sshrl.u32 @!p1 s7, $0x3;
	s8 =	simm.s32 @!p1 $0x1DC5;
	[sflag:s6] =	ssyncset.done $0x0  }
0xe: {  	s9 =	simm.s32 @!p1 $0x5;
	s5 =	sadd.s32 $0x3800, s10;
	[sflag:s6] =	ssyncadd.s32 $0xFFFFFE00  }
0xf: {  	[spmem:s7], [sflag:s8] =	dma.local @!p1 [hbm:s5], $0x680  }
0x10: {  	s11 =	sshll.u32 s1, $0xB;
	s13 =	sshll.u32 @!p0 s1, $0x6;
	_ =	swait.ge @!p1 [sflag:s9], $0x680  }
0x11: {  	s12 =	sshrl.u32 @!p0 s12, $0x3;
	s10 =	sadd.s32 s10, s11;
	[sflag:s9] =	ssyncset.done @!p1 $0x0  }
0x12: {  	s11 =	sor.u32 @!p0 $0x1C05, s13;
	s13 =	simm.s32 @!p0 $0x5;
	[sflag:s9] =	ssyncadd.s32 @!p1 $0xFFFFF980  }
0x13: {  	[spmem:s12], [sflag:s11] =	dma.local @!p0 [hbm:s10], $0x800  }
0x14: {  	_ =	swait.ge @!p0 [sflag:s13], $0x800  }
0x15: {  	[sflag:s13] =	ssyncset.done @!p0 $0x0  }
0x16: {  	[sflag:s13] =	ssyncadd.s32 @!p0 $0xFFFFF800  }
0x17: {  	v0 =	vld [tilespmem:$0x1F0]  }
0x18: {  	v1 =	vld [tilespmem:$0x160]  }
0x19: {  	v2 =	vld [tilespmem:$0x30]  }
0x1a: {  	v3 =	vld [tilespmem:$0x20]  }
0x1b: {  	v4 =	vld [tilespmem:$0x50]  }
0x1c: {  	v11 =	vld [tilespmem:$0x40]  }
0x1d: {  	v14 =	vld [tilespmem:$0x60]  }
0x1e: {  	v15 =	vld [tilespmem:$0x90]  }
0x1f: {  	v22 =	vld [tilespmem:$0xE0]  }
0x20: {  	v24 =	vld [tilespmem:$0x110]  }
0x21: {  	v25 =	vld [tilespmem:$0x1E0];
	v6 =	vadd.s32 $0xFFFFFFFF, v0  }
0x22: {  	v28 =	vld [tilespmem:$0x1A0];
	v7 =	vadd.s32 $0xFFFFFFFF, v1;
	v1 =	vadd.s32 $0x3E7, v1;
	v0 =	vadd.s32 $0x3E7, v0  }
0x23: {  	v56 =	vld [tilespmem:$0x1B0];
	v9 =	vadd.s32 $0x3E7, v3;
	v10 =	vadd.s32 $0x3E7, v2;
	v3 =	vadd.s32 $0xFFFFFFFF, v3  }
0x24: {  	v12 =	vadd.s32 $0xFFFFFFFF, v4;
	v4 =	vadd.s32 $0x3E7, v4;
	v2 =	vadd.s32 $0xFFFFFFFF, v2  }
0x25: {  	v5 =	vld [tilespmem:$0x0];
	v16 =	vadd.s32 $0xFFFFFFFF, v11;
	v17 =	vadd.s32 $0xFFFFFFFF, v14;
	v11 =	vadd.s32 $0x3E7, v11  }
0x26: {  	v13 =	vld [tilespmem:$0x10];
	v14 =	vadd.s32 $0x3E7, v14;
	v21 =	vadd.s32 $0x3E7, v15;
	v15 =	vadd.s32 $0xFFFFFFFF, v15  }
0x27: {  	v23 =	vld [tilespmem:$0xC0];
	v51 =	vadd.s32 $0xFFFFFFFF, v22;
	v27 =	vadd.s32 $0xFFFFFFFF, v24;
	v55 =	vadd.s32 $0x3E7, v24  }
0x28: {  	v26 =	vld [tilespmem:$0x140];
	v57 =	vadd.s32 $0x3E7, v25;
	v60 =	vadd.s32 $0x3E7, v28;
	v61 =	vadd.s32 $0xFFFFFFFF, v56  }
0x29: {  	v8 =	vld [tilespmem:$0x120];
	vm0 =	vlt.s32 v6, $0x0;
	vm1 =	vlt.s32 v7, $0x0;
	vm4 =	vlt.s32 v15, $0x0  }
0x2a: {  	v1 =	vsel vm1, v1, v7;
	v7 =	vadd.s32 $0xFFFFFFFF, v5;
	vm1 =	vlt.s32 v12, $0x0  }
0x2b: {  	v19 =	vld [tilespmem:$0xD0];
	v0 =	vsel vm0, v0, v6;
	v5 =	vadd.s32 $0x3E7, v5;
	v15 =	vsel vm4, v21, v15;
	[tilespmem:$0x160] =	vst v1  }
0x2c: {  	vm0 =	vlt.s32 v7, $0x0;
	v1 =	vadd.s32 $0x3E7, v13;
	[tilespmem:$0x1F0] =	vst v0;
	v0 =	vadd.s32 $0x3E7, v23  }
0x2d: {  	[tilespmem:$0x90] =	vst v15;
	v15 =	vadd.s32 $0xFFFFFFFF, v26;
	v5 =	vsel vm0, v5, v7;
	v7 =	vsel vm1, v4, v12  }
0x2e: {  	v6 =	vld [tilespmem:$0x70];
	vm1 =	vlt.s32 v2, $0x0;
	v12 =	vadd.s32 $0xFFFFFFFF, v8;
	v8 =	vadd.s32 $0x3E7, v8  }
0x2f: {  	v18 =	vld [tilespmem:$0xB0];
	vm0 =	vlt.s32 v3, $0x0;
	vm2 =	vlt.s32 v12, $0x0;
	v2 =	vsel vm1, v10, v2  }
0x30: {  	v50 =	vld [tilespmem:$0x100];
	vm1 =	vlt.s32 v16, $0x0;
	v3 =	vsel vm0, v9, v3;
	v9 =	vadd.s32 $0xFFFFFFFF, v19  }
0x31: {  	v8 =	vsel vm2, v8, v12;
	v12 =	vadd.s32 $0xFFFFFFFF, v13;
	v11 =	vsel vm1, v11, v16  }
0x32: {  	vm1 =	vlt.s32 v17, $0x0;
	[tilespmem:$0x30] =	vst v2;
	vm0 =	vlt.s32 v9, $0x0;
	v2 =	vadd.s32 $0x3E7, v19  }
0x33: {  	v4 =	vld [tilespmem:$0x80];
	[tilespmem:$0x20] =	vst v3;
	v3 =	vadd.s32 $0xFFFFFFFF, v23;
	v49 =	vadd.s32 $0x3E7, v6;
	v6 =	vadd.s32 $0xFFFFFFFF, v6  }
0x34: {  	v14 =	vsel vm1, v14, v17;
	vm1 =	vlt.s32 v12, $0x0;
	[tilespmem:$0x120] =	vst v8;
	v8 =	vsel vm0, v2, v9  }
0x35: {  	v10 =	vld [tilespmem:$0xA0];
	[tilespmem:$0x40] =	vst v11;
	v9 =	vadd.s32 $0x3E7, v50;
	v11 =	vadd.s32 $0x3E7, v22;
	v2 =	vadd.s32 $0x3E7, v18  }
0x36: {  	[tilespmem:$0x0] =	vst v5;
	v5 =	vld [tilespmem:$0x130];
	v17 =	vadd.s32 $0xFFFFFFFF, v50;
	vm2 =	vlt.s32 v6, $0x0;
	v12 =	vsel vm1, v1, v12  }
0x37: {  	v52 =	vld [tilespmem:$0x180];
	v1 =	vadd.s32 $0xFFFFFFFF, v18;
	vm1 =	vlt.s32 v51, $0x0;
	[tilespmem:$0xD0] =	vst v8;
	v8 =	vadd.s32 $0xFFFFFFFF, v25  }
0x38: {  	vm15 =	vlt.s32 v17, $0x0;
	v20 =	vadd.s32 $0xFFFFFFFF, v4;
	v4 =	vadd.s32 $0x3E7, v4  }
0x39: {  	[tilespmem:$0x60] =	vst v14;
	v14 =	vld [tilespmem:$0x170];
	vm0 =	vlt.s32 v1, $0x0;
	v6 =	vsel vm2, v49, v6;
	vm2 =	vlt.s32 v8, $0x0  }
0x3a: {  	v62 =	vld [tilespmem:$0x190];
	[tilespmem:$0x50] =	vst v7;
	v11 =	vsel vm1, v11, v51;
	v9 =	vsel vm15, v9, v17;
	vm3 =	vlt.s32 v20, $0x0  }
0x3b: {  	[tilespmem:$0x10] =	vst v12;
	v13 =	vadd.s32 $0x3E7, v10;
	v10 =	vadd.s32 $0xFFFFFFFF, v10;
	v54 =	vadd.s32 $0xFFFFFFFF, v5  }
0x3c: {  	s15 =	ssub.s32 $0x2, s15;
	v12 =	vadd.s32 $0x3E7, v5;
	v5 =	vadd.s32 $0xFFFFFFFF, v52;
	v21 =	vsel vm2, v57, v8;
	[tilespmem:$0x70] =	vst v6  }
0x3d: {  	s17 =	sshrl.u32 s15, $0x1;
	v8 =	vadd.s32 $0x3E7, v52;
	v6 =	vadd.s32 $0x3E7, v26;
	[tilespmem:$0xE0] =	vst v11;
	v53 =	vsel vm3, v4, v20;
	v4 =	vld [tilespmem:$0x1C0]  }
0x3e: {  	s18 =	ssub.s32 s15, s17;
	[tilespmem:$0x100] =	vst v9;
	vm3 =	vlt.s32 v54, $0x0;
	v58 =	vadd.s32 $0xFFFFFFFF, v14;
	v7 =	vadd.s32 $0x3E7, v14;
	v14 =	vld [tilespmem:$0xF0]  }
0x3f: {  	s22 =	smax.u32 s18, $0x1;
	v11 =	vadd.s32 $0xFFFFFFFF, v62;
	[tilespmem:$0x1E0] =	vst v21;
	vm14 =	vlt.s32 v10, $0x0;
	v12 =	vsel vm3, v12, v54  }
0x40: {  	s30 =	sadd.s32 $0xFFFFFFFF, s22;
	[tilespmem:$0x80] =	vst v53;
	v10 =	vsel vm14, v13, v10;
	vm3 =	vlt.s32 v27, $0x0;
	vm2 =	vlt.s32 v58, $0x0  }
0x41: {  	s19 =	simm.s32 $0x80;
	s21 =	simm.s32 $0x200;
	p2 =	sne.s32 s30, $0x0;
	v13 =	vadd.s32 $0xFFFFFFFF, v28;
	[tilespmem:$0x130] =	vst v12;
	v59 =	vsel vm2, v7, v58;
	vm2 =	vlt.s32 v15, $0x0  }
.Ltmp0:
0x42: {  	s24 =	simm.s32 $0x100;
	s20 =	simm.s32 $0x8200;
	v12 =	vadd.s32 $0x3E7, v56;
	[tilespmem:$0xA0] =	vst v10;
	v10 =	vsel vm3, v55, v27;
	v9 =	vsel vm2, v6, v15;
	v6 =	vld [tilespmem:$0x150];
	(pc) =	sbr.rel @!p2 .LBB2_2-.Ltmp0, $4  }
0x43: {  	s26 =	simm.s32 $0x180;
	s28 =	simm.s32 $0x1;
	s16 =	sshll.u32 s16, $0x4;
	vm3 =	vlt.s32 v13, $0x0;
	[tilespmem:$0x110] =	vst v10;
	v7 =	vadd.s32 $0xFFFFFFFF, v4;
	v63 =	vadd.s32 $0xFFFFFFFF, v14  }
0x44: {  	s29 =	simm.s32 $0x2;
	s25 =	simm.s32 $0x3;
	s14 =	sadd.s32 s14, s16;
	[tilespmem:$0x170] =	vst v59;
	vm2 =	vlt.s32 v5, $0x0;
	v10 =	vadd.s32 $0x3E7, v14;
	vm1 =	vlt.s32 v63, $0x0  }
0x45: {  	s23 =	simm.s32 $0x4;
	s18 =	simm.s32 $0x4200;
	s17 =	sadd.s32 $0x800, s14;
	[tilespmem:$0x140] =	vst v9;
	v9 =	vld [tilespmem:$0x1D0];
	v14 =	vsel vm3, v60, v13;
	v10 =	vsel vm1, v10, v63;
	vm1 =	vlt.s32 v61, $0x0  }
0x46: {  	s15 =	sadd.s32 $0x1000, s14;
	s16 =	sadd.s32 $0x1800, s14;
	s22 =	simm.s32 $0xC200;
	v13 =	vadd.s32 $0x3E7, v62;
	[tilespmem:$0x1A0] =	vst v14;
	v12 =	vsel vm1, v12, v61;
	vm1 =	vlt.s32 v11, $0x0  }
.LBB2_1:
0x47: {  	s30 =	sadd.s32 $0xFFFFFFFF, s30;
	v14 =	vadd.s32 $0xFFFFFFFF, v6;
	v5 =	vsel vm2, v8, v5;
	v8 =	vsel vm1, v13, v11;
	[tilespmem:$0x1B0] =	vst v12  }
0x48: {  	v1 =	vsel vm0, v2, v1;
	v2 =	vadd.s32 $0x3E7, v6;
	p2 =	sne.s32 s30, $0x0;
	vm0 =	vlt.s32 v14, $0x0;
	[tilespmem:$0x180] =	vst v5  }
0x49: {  	[tilespmem:$0xB0] =	vst v1;
	v1 =	vsel vm0, v2, v14;
	vm0 =	vlt.s32 v7, $0x0;
	v2 =	vadd.s32 $0x3E7, v4  }
0x4a: {  	vm1 =	vlt.s32 v3, $0x0;
	v4 =	vadd.s32 $0xFFFFFFFF, v9;
	[tilespmem:$0x190] =	vst v8;
	v2 =	vsel vm0, v2, v7  }
0x4b: {  	v0 =	vsel vm1, v0, v3;
	vm0 =	vlt.s32 v4, $0x0;
	[tilespmem:$0x1C0] =	vst v2;
	v2 =	vadd.s32 $0x3E7, v9  }
0x4c: {  	[tilespmem:$0xC0] =	vst v0;
	v0 =	vsel vm0, v2, v4  }
0x4d: {  	[tilespmem:$0x1D0] =	vst v0  }
0x4e: {  	[tilespmem:$0x150] =	vst v1  }
0x4f: {  	[tilespmem:$0xF0] =	vst v10  }
0x50: {  	[bflag:$0x0] =	sbarrier.arrive $0xFFFF  }
0x51: {  	[tilespmem:s21], [sflag:$0x1] =	stream.indirect.gather [spmem:s3], $0x80, s2, s19, $0xb8;
	[tilespmem:$0x12140] =	vst v63  }
0x52: {  	_ = 	snop  }
0x53: {  	[tilespmem:s18], [sflag:$0x2] =	stream.indirect.gather [spmem:s3], $0x80, s19, s19, $0xb8;
	[tilespmem:$0x12140] =	vst v63  }
0x54: {  	_ = 	snop  }
0x55: {  	[tilespmem:s20], [sflag:$0x1] =	stream.indirect.gather [spmem:s3], $0x80, s24, s19, $0xb8;
	[tilespmem:$0x12140] =	vst v63  }
0x56: {  	_ = 	snop  }
0x57: {  	[tilespmem:s22], [sflag:$0x2] =	stream.indirect.gather [spmem:s3], $0x80, s26, s19, $0xb8;
	[tilespmem:$0x12140] =	vst v63  }
0x58: {  	_ =	swait.ge [sflag:s28], $0x4000  }
0x59: {  	[sflag:s28] =	ssyncset.done $0x0  }
0x5a: {  	[sflag:s28] =	ssyncadd.s32 $0xFFFFC000  }
0x5b: {  	[hbm4b:s14+s2] =	stream.linear.scatter [tilespmem:s21], [sflag:$0x3], $0x4000, $0x38;
	[tilespmem:$0x12140] =	vst v63  }
0x5c: {  	_ =	swait.ge [sflag:s29], $0x4000  }
0x5d: {  	[sflag:s29] =	ssyncset.done $0x0  }
0x5e: {  	[sflag:s29] =	ssyncadd.s32 $0xFFFFC000  }
0x5f: {  	[hbm4b:s17+s2] =	stream.linear.scatter [tilespmem:s18], [sflag:$0x4], $0x4000, $0x38;
	[tilespmem:$0x12140] =	vst v63  }
0x60: {  	_ =	swait.ge [sflag:s28], $0x4000  }
0x61: {  	[sflag:s28] =	ssyncset.done $0x0  }
0x62: {  	[sflag:s28] =	ssyncadd.s32 $0xFFFFC000  }
0x63: {  	[hbm4b:s15+s2] =	stream.linear.scatter [tilespmem:s20], [sflag:$0x3], $0x4000, $0x38;
	[tilespmem:$0x12140] =	vst v63  }
0x64: {  	_ =	swait.ge [sflag:s29], $0x4000  }
0x65: {  	[sflag:s29] =	ssyncset.done $0x0  }
0x66: {  	[sflag:s29] =	ssyncadd.s32 $0xFFFFC000  }
0x67: {  	[hbm4b:s16+s2] =	stream.linear.scatter [tilespmem:s22], [sflag:$0x4], $0x4000, $0x38;
	[tilespmem:$0x12140] =	vst v63  }
0x68: {  	_ =	swait.ge [sflag:s25], $0x4000  }
0x69: {  	[sflag:s25] =	ssyncset.done $0x0  }
0x6a: {  	[sflag:s25] =	ssyncadd.s32 $0xFFFFC000  }
0x6b: {  	_ =	swait.ge [sflag:s23], $0x4000  }
0x6c: {  	[sflag:s23] =	ssyncset.done $0x0  }
0x6d: {  	[sflag:s23] =	ssyncadd.s32 $0xFFFFC000  }
0x6e: {  	_ =	swait.ge [sflag:s25], $0x4000  }
0x6f: {  	[sflag:s25] =	ssyncset.done $0x0  }
0x70: {  	[sflag:s25] =	ssyncadd.s32 $0xFFFFC000  }
0x71: {  	_ =	swait.ge [sflag:s23], $0x4000  }
0x72: {  	[sflag:s23] =	ssyncset.done $0x0  }
0x73: {  	[sflag:s23] =	ssyncadd.s32 $0xFFFFC000  }
0x74: {  	[tilespmem:s2], [sflag:$0x5] =	stream.linear.gather [hbm4b:s4+s2], $0x200, $0x38;
	[tilespmem:$0x12140] =	vst v63  }
0x75: {  	_ =	swait.ge [sflag:s6], $0x200  }
0x76: {  	[sflag:s6] =	ssyncset.done $0x0  }
0x77: {  	[sflag:s6] =	ssyncadd.s32 $0xFFFFFE00  }
0x78: {  	[spmem:s7], [sflag:s8] =	dma.local @!p1 [hbm:s5], $0x680  }
0x79: {  	_ =	swait.ge @!p1 [sflag:s9], $0x680  }
0x7a: {  	[sflag:s9] =	ssyncset.done @!p1 $0x0  }
0x7b: {  	[sflag:s9] =	ssyncadd.s32 @!p1 $0xFFFFF980  }
0x7c: {  	[spmem:s12], [sflag:s11] =	dma.local @!p0 [hbm:s10], $0x800  }
0x7d: {  	_ =	swait.ge @!p0 [sflag:s13], $0x800  }
0x7e: {  	[sflag:s13] =	ssyncset.done @!p0 $0x0  }
0x7f: {  	[sflag:s13] =	ssyncadd.s32 @!p0 $0xFFFFF800  }
0x80: {  	v0 =	vld [tilespmem:$0x1F0]  }
0x81: {  	v1 =	vld [tilespmem:$0x160]  }
0x82: {  	v2 =	vld [tilespmem:$0x30]  }
0x83: {  	v3 =	vld [tilespmem:$0x20]  }
0x84: {  	v4 =	vld [tilespmem:$0x50]  }
0x85: {  	v5 =	vld [tilespmem:$0x0];
	v6 =	vadd.s32 $0xFFFFFFFF, v0  }
0x86: {  	v8 =	vadd.s32 $0xFFFFFFFF, v1;
	v1 =	vadd.s32 $0x3E7, v1;
	v7 =	vld [tilespmem:$0x1E0]  }
0x87: {  	v0 =	vadd.s32 $0x3E7, v0;
	vm0 =	vlt.s32 v6, $0x0;
	v9 =	vld [tilespmem:$0x120]  }
0x88: {  	v11 =	vadd.s32 $0x3E7, v2;
	vm1 =	vlt.s32 v8, $0x0;
	v10 =	vadd.s32 $0x3E7, v3;
	v12 =	vld [tilespmem:$0x40]  }
0x89: {  	v3 =	vadd.s32 $0xFFFFFFFF, v3;
	v1 =	vsel vm1, v1, v8;
	v13 =	vld [tilespmem:$0x10];
	v14 =	vadd.s32 $0xFFFFFFFF, v4  }
0x8a: {  	v0 =	vsel vm0, v0, v6;
	v8 =	vadd.s32 $0xFFFFFFFF, v5;
	vm1 =	vlt.s32 v14, $0x0;
	v15 =	vld [tilespmem:$0x60];
	[tilespmem:$0x160] =	vst v1  }
0x8b: {  	v4 =	vadd.s32 $0x3E7, v4;
	v1 =	vadd.s32 $0x3E7, v5;
	vm0 =	vlt.s32 v8, $0x0;
	v5 =	vld [tilespmem:$0x70];
	[tilespmem:$0x1F0] =	vst v0  }
0x8c: {  	v0 =	vsel vm0, v1, v8;
	v1 =	vadd.s32 $0xFFFFFFFF, v2;
	v8 =	vsel vm1, v4, v14;
	v2 =	vld [tilespmem:$0x80]  }
0x8d: {  	v4 =	vadd.s32 $0xFFFFFFFF, v9;
	v6 =	vadd.s32 $0x3E7, v9;
	[tilespmem:$0x0] =	vst v0;
	vm1 =	vlt.s32 v1, $0x0;
	v0 =	vld [tilespmem:$0x90]  }
0x8e: {  	vm0 =	vlt.s32 v3, $0x0;
	v9 =	vadd.s32 $0xFFFFFFFF, v12;
	vm2 =	vlt.s32 v4, $0x0;
	v14 =	vld [tilespmem:$0xA0]  }
0x8f: {  	v1 =	vsel vm1, v11, v1;
	vm1 =	vlt.s32 v9, $0x0;
	v11 =	vadd.s32 $0xFFFFFFFF, v15;
	v16 =	vld [tilespmem:$0xB0]  }
0x90: {  	v4 =	vsel vm2, v6, v4;
	[tilespmem:$0x30] =	vst v1;
	v1 =	vadd.s32 $0x3E7, v12;
	v12 =	vadd.s32 $0x3E7, v15;
	v15 =	vld [tilespmem:$0xC0]  }
0x91: {  	v6 =	vadd.s32 $0xFFFFFFFF, v13;
	v1 =	vsel vm1, v1, v9;
	v9 =	vadd.s32 $0x3E7, v5;
	v17 =	vld [tilespmem:$0xD0];
	[tilespmem:$0x120] =	vst v4  }
0x92: {  	v4 =	vadd.s32 $0xFFFFFFFF, v5;
	v5 =	vadd.s32 $0xFFFFFFFF, v2;
	[tilespmem:$0x40] =	vst v1;
	v18 =	vadd.s32 $0x3E7, v0;
	v19 =	vld [tilespmem:$0xE0]  }
0x93: {  	vm1 =	vlt.s32 v11, $0x0;
	vm3 =	vlt.s32 v5, $0x0;
	v20 =	vadd.s32 $0xFFFFFFFF, v0;
	v21 =	vld [tilespmem:$0xF0]  }
0x94: {  	v0 =	vsel vm1, v12, v11;
	vm2 =	vlt.s32 v4, $0x0;
	v11 =	vadd.s32 $0x3E7, v2;
	v12 =	vld [tilespmem:$0x100]  }
0x95: {  	vm1 =	vlt.s32 v6, $0x0;
	v1 =	vadd.s32 $0x3E7, v13;
	v13 =	vadd.s32 $0x3E7, v14;
	v22 =	vld [tilespmem:$0x110]  }
0x96: {  	v3 =	vsel vm0, v10, v3;
	v2 =	vsel vm1, v1, v6;
	v1 =	vadd.s32 $0xFFFFFFFF, v16;
	[tilespmem:$0x60] =	vst v0;
	v10 =	vld [tilespmem:$0x130]  }
0x97: {  	vm4 =	vlt.s32 v20, $0x0;
	v0 =	vadd.s32 $0x3E7, v15;
	[tilespmem:$0x20] =	vst v3;
	v3 =	vadd.s32 $0xFFFFFFFF, v17;
	v23 =	vld [tilespmem:$0x140]  }
0x98: {  	[tilespmem:$0x10] =	vst v2;
	vm0 =	vlt.s32 v3, $0x0;
	v2 =	vadd.s32 $0x3E7, v17;
	v17 =	vadd.s32 $0xFFFFFFFF, v19;
	v6 =	vld [tilespmem:$0x150]  }
0x99: {  	v2 =	vsel vm0, v2, v3;
	vm1 =	vlt.s32 v17, $0x0;
	v24 =	vadd.s32 $0x3E7, v12;
	v25 =	vld [tilespmem:$0x170]  }
0x9a: {  	v19 =	vadd.s32 $0x3E7, v19;
	vm0 =	vlt.s32 v1, $0x0;
	[tilespmem:$0xD0] =	vst v2;
	v26 =	vadd.s32 $0xFFFFFFFF, v22;
	v27 =	vld [tilespmem:$0x180]  }
0x9b: {  	v14 =	vadd.s32 $0xFFFFFFFF, v14;
	v12 =	vadd.s32 $0xFFFFFFFF, v12;
	v2 =	vadd.s32 $0x3E7, v16;
	v16 =	vld [tilespmem:$0x190]  }
0x9c: {  	v3 =	vsel vm3, v11, v5;
	v11 =	vadd.s32 $0xFFFFFFFF, v10;
	v10 =	vadd.s32 $0x3E7, v10;
	v28 =	vld [tilespmem:$0x1A0]  }
0x9d: {  	v29 =	vsel vm2, v9, v4;
	[tilespmem:$0x80] =	vst v3;
	v3 =	vsel vm4, v18, v20;
	v18 =	vadd.s32 $0x3E7, v22;
	v20 =	vld [tilespmem:$0x1B0]  }
0x9e: {  	[tilespmem:$0x90] =	vst v3;
	v3 =	vadd.s32 $0xFFFFFFFF, v15;
	v4 =	vld [tilespmem:$0x1C0];
	v15 =	vadd.s32 $0xFFFFFFFF, v7  }
0x9f: {  	v7 =	vadd.s32 $0x3E7, v7;
	[tilespmem:$0x50] =	vst v8;
	v5 =	vadd.s32 $0xFFFFFFFF, v27;
	v9 =	vld [tilespmem:$0x1D0];
	vm2 =	vlt.s32 v15, $0x0  }
0xa0: {  	v22 =	vadd.s32 $0xFFFFFFFF, v23;
	[tilespmem:$0x70] =	vst v29;
	v29 =	vadd.s32 $0xFFFFFFFF, v25;
	v7 =	vsel vm2, v7, v15  }
0xa1: {  	v8 =	vadd.s32 $0x3E7, v27;
	v15 =	vadd.s32 $0x3E7, v25;
	vm2 =	vlt.s32 v29, $0x0;
	[tilespmem:$0x1E0] =	vst v7  }
0xa2: {  	v23 =	vadd.s32 $0x3E7, v23;
	v25 =	vadd.s32 $0x3E7, v28;
	v15 =	vsel vm2, v15, v29  }
0xa3: {  	vm3 =	vlt.s32 v22, $0x0;
	vm2 =	vlt.s32 v11, $0x0;
	v7 =	vadd.s32 $0xFFFFFFFF, v4  }
0xa4: {  	vm4 =	vlt.s32 v14, $0x0;
	v10 =	vsel vm2, v10, v11;
	[tilespmem:$0x170] =	vst v15;
	v15 =	vadd.s32 $0xFFFFFFFF, v20  }
0xa5: {  	v11 =	vsel vm4, v13, v14;
	vm2 =	vlt.s32 v26, $0x0;
	v13 =	vadd.s32 $0x3E7, v20;
	[tilespmem:$0x130] =	vst v10  }
0xa6: {  	vm4 =	vlt.s32 v12, $0x0;
	v14 =	vadd.s32 $0xFFFFFFFF, v28;
	v10 =	vsel vm2, v18, v26;
	[tilespmem:$0xA0] =	vst v11  }
.Ltmp1:
0xa7: {  	v12 =	vsel vm4, v24, v12;
	v11 =	vsel vm1, v19, v17;
	v17 =	vadd.s32 $0xFFFFFFFF, v21;
	[tilespmem:$0x110] =	vst v10;
	(pc) =	sbr.rel @p2 .LBB2_1-.Ltmp1, $4  }
0xa8: {  	vm2 =	vlt.s32 v14, $0x0;
	vm1 =	vlt.s32 v17, $0x0;
	v10 =	vadd.s32 $0x3E7, v21;
	[tilespmem:$0xE0] =	vst v11  }
0xa9: {  	v10 =	vsel vm1, v10, v17;
	v11 =	vsel vm3, v23, v22;
	vm1 =	vlt.s32 v15, $0x0;
	[tilespmem:$0x100] =	vst v12  }
0xaa: {  	v14 =	vsel vm2, v25, v14;
	v12 =	vsel vm1, v13, v15;
	[tilespmem:$0x140] =	vst v11;
	v11 =	vadd.s32 $0xFFFFFFFF, v16  }
0xab: {  	vm2 =	vlt.s32 v5, $0x0;
	v13 =	vadd.s32 $0x3E7, v16;
	vm1 =	vlt.s32 v11, $0x0;
	[tilespmem:$0x1A0] =	vst v14  }
.LBB2_2:
0xac: {  	[tilespmem:$0x1B0] =	vst v12  }
0xad: {  	v5 =	vsel vm2, v8, v5;
	[tilespmem:$0xF0] =	vst v10  }
0xae: {  	v56 =	vadd.s32 $0xFFFFFFFF, v6;
	v1 =	vsel vm0, v2, v1;
	[tilespmem:$0x180] =	vst v5  }
0xaf: {  	v57 =	vsel vm1, v13, v11;
	vm12 =	vlt.s32 v7, $0x0;
	v58 =	vadd.s32 $0x3E7, v4;
	[tilespmem:$0xB0] =	vst v1  }
0xb0: {  	vm13 =	vlt.s32 v3, $0x0;
	v61 =	vadd.s32 $0x3E7, v6;
	[tilespmem:$0x190] =	vst v57;
	v1 =	vsel vm12, v58, v7  }
0xb1: {  	v0 =	vsel vm13, v0, v3;
	vm15 =	vlt.s32 v56, $0x0;
	[tilespmem:$0x1C0] =	vst v1;
	v59 =	vadd.s32 $0xFFFFFFFF, v9  }
0xb2: {  	[tilespmem:$0xC0] =	vst v0;
	v63 =	vsel vm15, v61, v56;
	v60 =	vadd.s32 $0x3E7, v9;
	vm14 =	vlt.s32 v59, $0x0  }
0xb3: {  	[tilespmem:$0x150] =	vst v63;
	v62 =	vsel vm14, v60, v59  }
0xb4: {  	[tilespmem:$0x1D0] =	vst v62  }
0xb5: {  	[bflag:$0x0] =	sbarrier.arrive $0xFFFF  }
0xb6: {  	[tilespmem:s21], [sflag:$0x1] =	stream.indirect.gather [spmem:s3], $0x80, s2, s19, $0xb8;
	[tilespmem:$0x12140] =	vst v63  }
0xb7: {  	_ = 	snop  }
0xb8: {  	[tilespmem:s18], [sflag:$0x2] =	stream.indirect.gather [spmem:s3], $0x80, s19, s19, $0xb8;
	[tilespmem:$0x12140] =	vst v63  }
0xb9: {  	_ = 	snop  }
0xba: {  	[tilespmem:s20], [sflag:$0x1] =	stream.indirect.gather [spmem:s3], $0x80, s24, s19, $0xb8;
	[tilespmem:$0x12140] =	vst v63  }
0xbb: {  	_ = 	snop  }
0xbc: {  	[tilespmem:s22], [sflag:$0x2] =	stream.indirect.gather [spmem:s3], $0x80, s26, s19, $0xb8;
	[tilespmem:$0x12140] =	vst v63  }
0xbd: {  	_ =	swait.ge [sflag:s28], $0x4000  }
0xbe: {  	[sflag:s28] =	ssyncset.done $0x0  }
0xbf: {  	[sflag:s28] =	ssyncadd.s32 $0xFFFFC000  }
0xc0: {  	[hbm4b:s14+s2] =	stream.linear.scatter [tilespmem:s21], [sflag:$0x3], $0x4000, $0x38;
	[tilespmem:$0x12140] =	vst v63  }
0xc1: {  	_ =	swait.ge [sflag:s29], $0x4000  }
0xc2: {  	[sflag:s29] =	ssyncset.done $0x0  }
0xc3: {  	[sflag:s29] =	ssyncadd.s32 $0xFFFFC000  }
0xc4: {  	[hbm4b:s17+s2] =	stream.linear.scatter [tilespmem:s18], [sflag:$0x4], $0x4000, $0x38;
	[tilespmem:$0x12140] =	vst v63  }
0xc5: {  	_ =	swait.ge [sflag:s28], $0x4000  }
0xc6: {  	[sflag:s28] =	ssyncset.done $0x0  }
0xc7: {  	[sflag:s28] =	ssyncadd.s32 $0xFFFFC000  }
0xc8: {  	[hbm4b:s15+s2] =	stream.linear.scatter [tilespmem:s20], [sflag:$0x3], $0x4000, $0x38;
	[tilespmem:$0x12140] =	vst v63  }
0xc9: {  	_ =	swait.ge [sflag:s29], $0x4000  }
0xca: {  	[sflag:s29] =	ssyncset.done $0x0  }
0xcb: {  	[sflag:s29] =	ssyncadd.s32 $0xFFFFC000  }
0xcc: {  	[hbm4b:s16+s2] =	stream.linear.scatter [tilespmem:s22], [sflag:$0x4], $0x4000, $0x38;
	[tilespmem:$0x12140] =	vst v63  }
0xcd: {  	_ =	swait.ge [sflag:s25], $0x4000  }
0xce: {  	[sflag:s25] =	ssyncset.done $0x0  }
0xcf: {  	[sflag:s25] =	ssyncadd.s32 $0xFFFFC000  }
0xd0: {  	_ =	swait.ge [sflag:s23], $0x4000  }
0xd1: {  	[sflag:s23] =	ssyncset.done $0x0  }
0xd2: {  	[sflag:s23] =	ssyncadd.s32 $0xFFFFC000  }
0xd3: {  	_ =	swait.ge [sflag:s25], $0x4000  }
0xd4: {  	[sflag:s25] =	ssyncset.done $0x0  }
0xd5: {  	[sflag:s25] =	ssyncadd.s32 $0xFFFFC000  }
0xd6: {  	_ =	swait.ge [sflag:s23], $0x4000  }
0xd7: {  	[sflag:s23] =	ssyncset.done $0x0  }
0xd8: {  	[sflag:s23] =	ssyncadd.s32 $0xFFFFC000  }
0xd9: {  	_ =	sfence.sel $0x180000  }
0xda: {  	[bflag:$0x0] =	sbarrier.arrive $0xFFFF  }
0xdb: {  	p0 =	sne.s32 s1, $0x0;
	_ =	strace $0x90000047  }
0xdc: {  	s0 =	sadd.s32 @!p0 $0x100000, s0;
	[bflag:$0x2] =	sbarrier.arrive $0xFFFF  }
0xdd: {  	[sflag:s0] =	ssyncadd.tile.s32 @!p0 $0x1;
	_ =	shalt  }
.Lfunc_end2:
_tile_overlayer_lowered:
.L_overlay_start_2:
0xde: {  	(tag) =	ssettag $0x2  }
0xdf: {  	s0 =	rddreg [dreg:$0x0];
	s2 =	stileid.u32  }
0xe0: {  	s1 =	rddreg [dreg:$0x1];
	p0 =	sne.s32 s2, $0x0  }
0xe1: {  	s3 =	rddreg [dreg:$0x2];
	[bflag:$0x3] =	sbarrier.arrive $0xFFFF;
	s2 =	simm.s32 @!p0 $0x1C05  }
0xe2: {  	[timem:s3], [sflag:s2] =	dma.local @!p0 [hbm:s0], s1  }
0xe3: {  	s0 =	simm.s32 @!p0 $0x5  }
0xe4: {  	_ =	swait.ge @!p0 [sflag:s0], s1  }
0xe5: {  	s1 =	ssub.s32 @!p0 $0x0, s1;
	[sflag:s0] =	ssyncset.done @!p0 $0x0  }
0xe6: {  	[sflag:s0] =	ssyncadd.s32 @!p0 s1  }
0xe7: {  	[bflag:$0x3] =	sbarrier.arrive $0xFFFF  }
0xe8: {  	_ =	shalt  }

</sc_bundles>
